<compile_context>
chip_gen: v7x
topology: tpu7x:2x2x1
jax: 0.10.2.dev20260603
libtpu: 0.0.44.dev20260713+nightly
codegen_flags: <defaults>
</compile_context>

<pallas_src>
import functools

import jax
import jax.numpy as jnp
from jax import lax
from jax.experimental import pallas as pl
from jax.experimental.pallas import tpu as pltpu
from jax.experimental.pallas import tpu_sc as plsc

_ROW = 256
_CHUNK = 128


@functools.lru_cache(maxsize=None)
def _make_gather(n_rows, n_vocab):
    info = plsc.get_sparse_core_info()
    nw = info.num_cores * info.num_subcores
    assert n_rows % (nw * _CHUNK) == 0
    rows_per_w = n_rows // nw
    n_chunks = rows_per_w // _CHUNK

    mesh = plsc.VectorSubcoreMesh(core_axis_name="c", subcore_axis_name="s")

    assert n_chunks % 2 == 0 and n_chunks >= 4

    @functools.partial(
        pl.kernel,
        mesh=mesh,
        out_type=jax.ShapeDtypeStruct((n_rows, _ROW), jnp.float32),
        scratch_types=[
            pltpu.VMEM((n_chunks, _CHUNK), jnp.int32),
            pltpu.VMEM((_CHUNK, _ROW), jnp.float32),
            pltpu.VMEM((_CHUNK, _ROW), jnp.float32),
            pltpu.SemaphoreType.DMA,
            pltpu.SemaphoreType.DMA,
            pltpu.SemaphoreType.DMA,
            pltpu.SemaphoreType.DMA,
        ],
    )
    def gather(table_hbm, idx_hbm, out_hbm, idx_v, rows0, rows1, g0, g1, w0, w1):
        wid = lax.axis_index("s") * info.num_cores + lax.axis_index("c")
        base = wid * rows_per_w
        pltpu.sync_copy(idx_hbm.at[wid], idx_v)

        def sg(i, buf, sem):
            pltpu.async_copy(table_hbm.at[idx_v.at[i]], buf, sem)

        def sw(i, buf, sem):
            pltpu.async_copy(buf, out_hbm.at[pl.ds(base + i * _CHUNK, _CHUNK)], sem)

        def wait_g(buf, sem):
            pltpu.make_async_copy(table_hbm.at[pl.ds(0, _CHUNK)], buf, sem).wait()

        def wait_w(buf, sem):
            pltpu.make_async_copy(buf, out_hbm.at[pl.ds(base, _CHUNK)], sem).wait()

        sg(0, rows0, g0)
        sg(1, rows1, g1)
        wait_g(rows0, g0)
        sw(0, rows0, w0)
        wait_g(rows1, g1)
        sw(1, rows1, w1)

        def group(g, carry):
            i0, i1 = 2 * g, 2 * g + 1
            wait_w(rows0, w0)
            sg(i0, rows0, g0)
            wait_w(rows1, w1)
            sg(i1, rows1, g1)
            wait_g(rows0, g0)
            sw(i0, rows0, w0)
            wait_g(rows1, g1)
            sw(i1, rows1, w1)
            return carry

        lax.fori_loop(1, n_chunks // 2, group, 0)
        wait_w(rows0, w0)
        wait_w(rows1, w1)

    return gather


def kernel(freqs_cis, seqlen, tok_idx):
    del seqlen
    b, s = tok_idx.shape
    v = freqs_cis.shape[0]
    table = freqs_cis.reshape(v, _ROW)
    info = plsc.get_sparse_core_info()
    nw = info.num_cores * info.num_subcores
    n_rows = b * s
    idx = tok_idx.astype(jnp.int32).reshape(nw, n_rows // (nw * _CHUNK), _CHUNK)
    out = _make_gather(n_rows, v)(table, idx)
    return out.reshape(b, s, freqs_cis.shape[1], 2, 2)

# --- scband reference (transcript-rebuilt; emitter-appended) ---
"""Pipeline reference for scband-rotary-embedding-2491081032155 (READ-ONLY COPY).

The authoritative reference and input builder live on the scoring server;
editing this copy changes nothing except your own understanding.
"""

import jax, jax.numpy as jnp
import numpy as np


def precompute_freqs_cis(dim, end, theta=10000.0):
    freqs = 1.0 / (theta ** (np.arange(0, dim, 2)[: dim // 2].astype(np.float32) / dim))
    t = np.arange(end, dtype=np.float32)
    f = np.outer(t, freqs).astype(np.float32)
    cos, sin = np.cos(f), np.sin(f)
    out = np.stack((cos, -sin, sin, cos), axis=-1).reshape(end, dim // 2, 2, 2)
    return jnp.asarray(out)


def setup_inputs(seed: int = 0):
    key = jax.random.key(seed)
    tok_idx = jax.random.randint(jax.random.fold_in(key, 1), (32, 8192), 0, 32768).astype(jnp.int64) if jax.config.jax_enable_x64 else jax.random.randint(jax.random.fold_in(key, 1), (32, 8192), 0, 32768)
    freqs_cis = precompute_freqs_cis(128, 32768, 10000.0)
    return {"freqs_cis": freqs_cis, "seqlen": 8192, "tok_idx": tok_idx}


def reference(freqs_cis, seqlen, tok_idx):
    # Faithful translation: tok_idx overrides seqlen; row gather from precomputed table.
    if tok_idx is not None:
        return jnp.take(freqs_cis, tok_idx, axis=0)
    return freqs_cis[0:seqlen]

if __name__ == "__main__":
    import jax
    _d = setup_inputs()
    print(jax.jit(kernel)(*tuple(_d.values())))

</pallas_src>

<mosaic_0001>
#map = affine_map<(d0, d1) -> (0, 0)>
#map1 = affine_map<(d0, d1) -> (0, 0, 0)>
module attributes {stable_mosaic.version = 14 : i64} {
  func.func @gather(%arg0: i32, %arg1: i32, %arg2: memref<32768x256xf32, #tpu.memory_space<hbm>>, %arg3: memref<32x64x128xi32, #tpu.memory_space<hbm>>, %arg4: memref<262144x256xf32, #tpu.memory_space<hbm>>, %arg5: memref<64x128xi32, #tpu.memory_space<vmem>>, %arg6: memref<128x256xf32, #tpu.memory_space<vmem>>, %arg7: memref<128x256xf32, #tpu.memory_space<vmem>>, %arg8: memref<!tpu.dma_semaphore, #tpu.memory_space<semaphore_mem>>, %arg9: memref<!tpu.dma_semaphore, #tpu.memory_space<semaphore_mem>>, %arg10: memref<!tpu.dma_semaphore, #tpu.memory_space<semaphore_mem>>, %arg11: memref<!tpu.dma_semaphore, #tpu.memory_space<semaphore_mem>>) attributes {dimension_semantics = [#tpu.dimension_semantics<core_parallel>, #tpu.dimension_semantics<subcore_parallel>], iteration_bounds = array<i64: 2, 16>, scalar_prefetch = 0 : i64, scratch_operands = 7 : i64, tpu.core_type = #tpu.core_type<sc_vector_subcore>, window_params = [{transform_indices = #map}, {transform_indices = #map1}, {transform_indices = #map}]} {
    %mul3A = arith.constant 2 : i32
    %mul3A_0 = arith.muli %arg1, %mul3A : i32
    %add3A = arith.addi %mul3A_0, %arg0 : i32
    %mul3A_1 = arith.constant 8192 : i32
    %mul3A_2 = arith.muli %add3A, %mul3A_1 : i32
    "tpu.region"() ({
      %run_scoped3A = tpu.sem_alloc : memref<!tpu.dma_semaphore, #tpu.memory_space<semaphore_mem>>
      %dma_start3A_52 = arith.constant 0 : i32
      %dma_start3A_53 = arith.constant 0 : i32
      %dma_start3A_54 = tpu.memref_slice %arg3[%add3A, %dma_start3A_52, %dma_start3A_53] : memref<32x64x128xi32, #tpu.memory_space<hbm>> -> memref<1x64x128xi32, #tpu.memory_space<hbm>>
      %dma_start3A_55 = tpu.memref_squeeze %dma_start3A_54 : memref<1x64x128xi32, #tpu.memory_space<hbm>> -> memref<64x128xi32, #tpu.memory_space<hbm>>
      %dma_start3A_56 = arith.constant 0 : i32
      %dma_start3A_57 = arith.constant 0 : i32
      %dma_start3A_58 = tpu.memref_slice %arg3[%add3A, %dma_start3A_56, %dma_start3A_57] : memref<32x64x128xi32, #tpu.memory_space<hbm>> -> memref<1x64x128xi32, #tpu.memory_space<hbm>>
      %dma_start3A_59 = tpu.memref_squeeze %dma_start3A_58 : memref<1x64x128xi32, #tpu.memory_space<hbm>> -> memref<64x128xi32, #tpu.memory_space<hbm>>
      tpu.enqueue_dma source(%dma_start3A_59 : memref<64x128xi32, #tpu.memory_space<hbm>>) target(%arg5 : memref<64x128xi32, #tpu.memory_space<vmem>>) target_semaphore(%run_scoped3A : memref<!tpu.dma_semaphore, #tpu.memory_space<semaphore_mem>>)
      %dma_wait3A_60 = arith.constant 0 : i32
      %dma_wait3A_61 = arith.constant 0 : i32
      %dma_wait3A_62 = tpu.memref_slice %arg3[%add3A, %dma_wait3A_60, %dma_wait3A_61] : memref<32x64x128xi32, #tpu.memory_space<hbm>> -> memref<1x64x128xi32, #tpu.memory_space<hbm>>
      %dma_wait3A_63 = tpu.memref_squeeze %dma_wait3A_62 : memref<1x64x128xi32, #tpu.memory_space<hbm>> -> memref<64x128xi32, #tpu.memory_space<hbm>>
      %dma_wait3A_64 = arith.constant 0 : i32
      %dma_wait3A_65 = arith.constant 0 : i32
      %dma_wait3A_66 = tpu.memref_slice %arg3[%add3A, %dma_wait3A_64, %dma_wait3A_65] : memref<32x64x128xi32, #tpu.memory_space<hbm>> -> memref<1x64x128xi32, #tpu.memory_space<hbm>>
      %dma_wait3A_67 = tpu.memref_squeeze %dma_wait3A_66 : memref<1x64x128xi32, #tpu.memory_space<hbm>> -> memref<64x128xi32, #tpu.memory_space<hbm>>
      tpu.wait_dma2 semaphore(%run_scoped3A : memref<!tpu.dma_semaphore, #tpu.memory_space<semaphore_mem>>) src(%dma_wait3A_67 : memref<64x128xi32, #tpu.memory_space<hbm>>) dst(%arg5 : memref<64x128xi32, #tpu.memory_space<vmem>>)
      tpu.yield
    }) : () -> ()
    %dma_start3A = arith.constant 0 : i32
    %dma_start3A_3 = arith.constant 0 : i32
    %dma_start3A_4 = tpu.memref_slice %arg5[%dma_start3A, %dma_start3A_3] : memref<64x128xi32, #tpu.memory_space<vmem>> -> memref<1x128xi32, #tpu.memory_space<vmem>>
    %dma_start3A_5 = tpu.memref_squeeze %dma_start3A_4 : memref<1x128xi32, #tpu.memory_space<vmem>> -> memref<128xi32, #tpu.memory_space<vmem>>
    %dma_start3A_6 = arith.constant 0 : i32
    %dma_start3A_7 = arith.constant 0 : i32
    %dma_start3A_8 = tpu.memref_slice %arg2[%dma_start3A_6, %dma_start3A_7] : memref<32768x256xf32, #tpu.memory_space<hbm>> -> memref<32768x256xf32, #tpu.memory_space<hbm>>
    tpu.enqueue_indirect_dma source(%dma_start3A_8 : memref<32768x256xf32, #tpu.memory_space<hbm>>) target(%arg6 : memref<128x256xf32, #tpu.memory_space<vmem>>) offsets(%dma_start3A_5 : memref<128xi32, #tpu.memory_space<vmem>>) semaphore(%arg8 : memref<!tpu.dma_semaphore, #tpu.memory_space<semaphore_mem>>)
    %dma_start3A_9 = arith.constant 1 : i32
    %dma_start3A_10 = arith.constant 0 : i32
    %dma_start3A_11 = tpu.memref_slice %arg5[%dma_start3A_9, %dma_start3A_10] : memref<64x128xi32, #tpu.memory_space<vmem>> -> memref<1x128xi32, #tpu.memory_space<vmem>>
    %dma_start3A_12 = tpu.memref_squeeze %dma_start3A_11 : memref<1x128xi32, #tpu.memory_space<vmem>> -> memref<128xi32, #tpu.memory_space<vmem>>
    %dma_start3A_13 = arith.constant 0 : i32
    %dma_start3A_14 = arith.constant 0 : i32
    %dma_start3A_15 = tpu.memref_slice %arg2[%dma_start3A_13, %dma_start3A_14] : memref<32768x256xf32, #tpu.memory_space<hbm>> -> memref<32768x256xf32, #tpu.memory_space<hbm>>
    tpu.enqueue_indirect_dma source(%dma_start3A_15 : memref<32768x256xf32, #tpu.memory_space<hbm>>) target(%arg7 : memref<128x256xf32, #tpu.memory_space<vmem>>) offsets(%dma_start3A_12 : memref<128xi32, #tpu.memory_space<vmem>>) semaphore(%arg9 : memref<!tpu.dma_semaphore, #tpu.memory_space<semaphore_mem>>)
    %dma_wait3A = arith.constant 0 : i32
    %dma_wait3A_16 = arith.constant 0 : i32
    %dma_wait3A_17 = tpu.memref_slice %arg2[%dma_wait3A, %dma_wait3A_16] : memref<32768x256xf32, #tpu.memory_space<hbm>> -> memref<128x256xf32, #tpu.memory_space<hbm>>
    %dma_wait3A_18 = arith.constant 0 : i32
    %dma_wait3A_19 = arith.constant 0 : i32
    %dma_wait3A_20 = tpu.memref_slice %arg2[%dma_wait3A_18, %dma_wait3A_19] : memref<32768x256xf32, #tpu.memory_space<hbm>> -> memref<128x256xf32, #tpu.memory_space<hbm>>
    tpu.wait_dma2 semaphore(%arg8 : memref<!tpu.dma_semaphore, #tpu.memory_space<semaphore_mem>>) src(%dma_wait3A_20 : memref<128x256xf32, #tpu.memory_space<hbm>>) dst(%arg6 : memref<128x256xf32, #tpu.memory_space<vmem>>)
    %add3A_21 = arith.constant 0 : i32
    %add3A_22 = arith.addi %mul3A_2, %add3A_21 : i32
    %dma_start3A_23 = arith.constant 0 : i32
    %dma_start3A_24 = tpu.memref_slice %arg4[%add3A_22, %dma_start3A_23] : memref<262144x256xf32, #tpu.memory_space<hbm>> -> memref<128x256xf32, #tpu.memory_space<hbm>>
    %dma_start3A_25 = arith.constant 0 : i32
    %dma_start3A_26 = tpu.memref_slice %arg4[%add3A_22, %dma_start3A_25] : memref<262144x256xf32, #tpu.memory_space<hbm>> -> memref<128x256xf32, #tpu.memory_space<hbm>>
    tpu.enqueue_dma source(%arg6 : memref<128x256xf32, #tpu.memory_space<vmem>>) target(%dma_start3A_26 : memref<128x256xf32, #tpu.memory_space<hbm>>) target_semaphore(%arg10 : memref<!tpu.dma_semaphore, #tpu.memory_space<semaphore_mem>>)
    %dma_wait3A_27 = arith.constant 0 : i32
    %dma_wait3A_28 = arith.constant 0 : i32
    %dma_wait3A_29 = tpu.memref_slice %arg2[%dma_wait3A_27, %dma_wait3A_28] : memref<32768x256xf32, #tpu.memory_space<hbm>> -> memref<128x256xf32, #tpu.memory_space<hbm>>
    %dma_wait3A_30 = arith.constant 0 : i32
    %dma_wait3A_31 = arith.constant 0 : i32
    %dma_wait3A_32 = tpu.memref_slice %arg2[%dma_wait3A_30, %dma_wait3A_31] : memref<32768x256xf32, #tpu.memory_space<hbm>> -> memref<128x256xf32, #tpu.memory_space<hbm>>
    tpu.wait_dma2 semaphore(%arg9 : memref<!tpu.dma_semaphore, #tpu.memory_space<semaphore_mem>>) src(%dma_wait3A_32 : memref<128x256xf32, #tpu.memory_space<hbm>>) dst(%arg7 : memref<128x256xf32, #tpu.memory_space<vmem>>)
    %add3A_33 = arith.constant 128 : i32
    %add3A_34 = arith.addi %mul3A_2, %add3A_33 : i32
    %dma_start3A_35 = arith.constant 0 : i32
    %dma_start3A_36 = tpu.memref_slice %arg4[%add3A_34, %dma_start3A_35] : memref<262144x256xf32, #tpu.memory_space<hbm>> -> memref<128x256xf32, #tpu.memory_space<hbm>>
    %dma_start3A_37 = arith.constant 0 : i32
    %dma_start3A_38 = tpu.memref_slice %arg4[%add3A_34, %dma_start3A_37] : memref<262144x256xf32, #tpu.memory_space<hbm>> -> memref<128x256xf32, #tpu.memory_space<hbm>>
    tpu.enqueue_dma source(%arg7 : memref<128x256xf32, #tpu.memory_space<vmem>>) target(%dma_start3A_38 : memref<128x256xf32, #tpu.memory_space<hbm>>) target_semaphore(%arg11 : memref<!tpu.dma_semaphore, #tpu.memory_space<semaphore_mem>>)
    %scan3A = arith.constant 0 : i32
    %scan3A_39 = arith.constant 1 : i32
    %scan3A_40 = arith.constant 31 : i32
    %scan3A_41 = arith.addi %scan3A_39, %scan3A_40 : i32
    %scan3A_42 = arith.constant 1 : i32
    scf.for %scan3A_52 = %scan3A_39 to %scan3A_41 step %scan3A_42  : i32 {
      %mul3A_53 = arith.constant 2 : i32
      %mul3A_54 = arith.muli %mul3A_53, %scan3A_52 : i32
      %mul3A_55 = arith.constant 2 : i32
      %mul3A_56 = arith.muli %mul3A_55, %scan3A_52 : i32
      %add3A_57 = arith.constant 1 : i32
      %add3A_58 = arith.addi %mul3A_56, %add3A_57 : i32
      %dma_wait3A_59 = arith.constant 0 : i32
      %dma_wait3A_60 = tpu.memref_slice %arg4[%mul3A_2, %dma_wait3A_59] : memref<262144x256xf32, #tpu.memory_space<hbm>> -> memref<128x256xf32, #tpu.memory_space<hbm>>
      %dma_wait3A_61 = arith.constant 0 : i32
      %dma_wait3A_62 = tpu.memref_slice %arg4[%mul3A_2, %dma_wait3A_61] : memref<262144x256xf32, #tpu.memory_space<hbm>> -> memref<128x256xf32, #tpu.memory_space<hbm>>
      tpu.wait_dma2 semaphore(%arg10 : memref<!tpu.dma_semaphore, #tpu.memory_space<semaphore_mem>>) src(%arg6 : memref<128x256xf32, #tpu.memory_space<vmem>>) dst(%dma_wait3A_62 : memref<128x256xf32, #tpu.memory_space<hbm>>)
      %dma_start3A_63 = arith.constant 0 : i32
      %dma_start3A_64 = tpu.memref_slice %arg5[%mul3A_54, %dma_start3A_63] : memref<64x128xi32, #tpu.memory_space<vmem>> -> memref<1x128xi32, #tpu.memory_space<vmem>>
      %dma_start3A_65 = tpu.memref_squeeze %dma_start3A_64 : memref<1x128xi32, #tpu.memory_space<vmem>> -> memref<128xi32, #tpu.memory_space<vmem>>
      %dma_start3A_66 = arith.constant 0 : i32
      %dma_start3A_67 = arith.constant 0 : i32
      %dma_start3A_68 = tpu.memref_slice %arg2[%dma_start3A_66, %dma_start3A_67] : memref<32768x256xf32, #tpu.memory_space<hbm>> -> memref<32768x256xf32, #tpu.memory_space<hbm>>
      tpu.enqueue_indirect_dma source(%dma_start3A_68 : memref<32768x256xf32, #tpu.memory_space<hbm>>) target(%arg6 : memref<128x256xf32, #tpu.memory_space<vmem>>) offsets(%dma_start3A_65 : memref<128xi32, #tpu.memory_space<vmem>>) semaphore(%arg8 : memref<!tpu.dma_semaphore, #tpu.memory_space<semaphore_mem>>)
      %dma_wait3A_69 = arith.constant 0 : i32
      %dma_wait3A_70 = tpu.memref_slice %arg4[%mul3A_2, %dma_wait3A_69] : memref<262144x256xf32, #tpu.memory_space<hbm>> -> memref<128x256xf32, #tpu.memory_space<hbm>>
      %dma_wait3A_71 = arith.constant 0 : i32
      %dma_wait3A_72 = tpu.memref_slice %arg4[%mul3A_2, %dma_wait3A_71] : memref<262144x256xf32, #tpu.memory_space<hbm>> -> memref<128x256xf32, #tpu.memory_space<hbm>>
      tpu.wait_dma2 semaphore(%arg11 : memref<!tpu.dma_semaphore, #tpu.memory_space<semaphore_mem>>) src(%arg7 : memref<128x256xf32, #tpu.memory_space<vmem>>) dst(%dma_wait3A_72 : memref<128x256xf32, #tpu.memory_space<hbm>>)
      %dma_start3A_73 = arith.constant 0 : i32
      %dma_start3A_74 = tpu.memref_slice %arg5[%add3A_58, %dma_start3A_73] : memref<64x128xi32, #tpu.memory_space<vmem>> -> memref<1x128xi32, #tpu.memory_space<vmem>>
      %dma_start3A_75 = tpu.memref_squeeze %dma_start3A_74 : memref<1x128xi32, #tpu.memory_space<vmem>> -> memref<128xi32, #tpu.memory_space<vmem>>
      %dma_start3A_76 = arith.constant 0 : i32
      %dma_start3A_77 = arith.constant 0 : i32
      %dma_start3A_78 = tpu.memref_slice %arg2[%dma_start3A_76, %dma_start3A_77] : memref<32768x256xf32, #tpu.memory_space<hbm>> -> memref<32768x256xf32, #tpu.memory_space<hbm>>
      tpu.enqueue_indirect_dma source(%dma_start3A_78 : memref<32768x256xf32, #tpu.memory_space<hbm>>) target(%arg7 : memref<128x256xf32, #tpu.memory_space<vmem>>) offsets(%dma_start3A_75 : memref<128xi32, #tpu.memory_space<vmem>>) semaphore(%arg9 : memref<!tpu.dma_semaphore, #tpu.memory_space<semaphore_mem>>)
      %dma_wait3A_79 = arith.constant 0 : i32
      %dma_wait3A_80 = arith.constant 0 : i32
      %dma_wait3A_81 = tpu.memref_slice %arg2[%dma_wait3A_79, %dma_wait3A_80] : memref<32768x256xf32, #tpu.memory_space<hbm>> -> memref<128x256xf32, #tpu.memory_space<hbm>>
      %dma_wait3A_82 = arith.constant 0 : i32
      %dma_wait3A_83 = arith.constant 0 : i32
      %dma_wait3A_84 = tpu.memref_slice %arg2[%dma_wait3A_82, %dma_wait3A_83] : memref<32768x256xf32, #tpu.memory_space<hbm>> -> memref<128x256xf32, #tpu.memory_space<hbm>>
      tpu.wait_dma2 semaphore(%arg8 : memref<!tpu.dma_semaphore, #tpu.memory_space<semaphore_mem>>) src(%dma_wait3A_84 : memref<128x256xf32, #tpu.memory_space<hbm>>) dst(%arg6 : memref<128x256xf32, #tpu.memory_space<vmem>>)
      %mul3A_85 = arith.constant 128 : i32
      %mul3A_86 = arith.muli %mul3A_54, %mul3A_85 : i32
      %add3A_87 = arith.addi %mul3A_2, %mul3A_86 : i32
      %dma_start3A_88 = arith.constant 0 : i32
      %dma_start3A_89 = tpu.memref_slice %arg4[%add3A_87, %dma_start3A_88] : memref<262144x256xf32, #tpu.memory_space<hbm>> -> memref<128x256xf32, #tpu.memory_space<hbm>>
      %dma_start3A_90 = arith.constant 0 : i32
      %dma_start3A_91 = tpu.memref_slice %arg4[%add3A_87, %dma_start3A_90] : memref<262144x256xf32, #tpu.memory_space<hbm>> -> memref<128x256xf32, #tpu.memory_space<hbm>>
      tpu.enqueue_dma source(%arg6 : memref<128x256xf32, #tpu.memory_space<vmem>>) target(%dma_start3A_91 : memref<128x256xf32, #tpu.memory_space<hbm>>) target_semaphore(%arg10 : memref<!tpu.dma_semaphore, #tpu.memory_space<semaphore_mem>>)
      %dma_wait3A_92 = arith.constant 0 : i32
      %dma_wait3A_93 = arith.constant 0 : i32
      %dma_wait3A_94 = tpu.memref_slice %arg2[%dma_wait3A_92, %dma_wait3A_93] : memref<32768x256xf32, #tpu.memory_space<hbm>> -> memref<128x256xf32, #tpu.memory_space<hbm>>
      %dma_wait3A_95 = arith.constant 0 : i32
      %dma_wait3A_96 = arith.constant 0 : i32
      %dma_wait3A_97 = tpu.memref_slice %arg2[%dma_wait3A_95, %dma_wait3A_96] : memref<32768x256xf32, #tpu.memory_space<hbm>> -> memref<128x256xf32, #tpu.memory_space<hbm>>
      tpu.wait_dma2 semaphore(%arg9 : memref<!tpu.dma_semaphore, #tpu.memory_space<semaphore_mem>>) src(%dma_wait3A_97 : memref<128x256xf32, #tpu.memory_space<hbm>>) dst(%arg7 : memref<128x256xf32, #tpu.memory_space<vmem>>)
      %mul3A_98 = arith.constant 128 : i32
      %mul3A_99 = arith.muli %add3A_58, %mul3A_98 : i32
      %add3A_100 = arith.addi %mul3A_2, %mul3A_99 : i32
      %dma_start3A_101 = arith.constant 0 : i32
      %dma_start3A_102 = tpu.memref_slice %arg4[%add3A_100, %dma_start3A_101] : memref<262144x256xf32, #tpu.memory_space<hbm>> -> memref<128x256xf32, #tpu.memory_space<hbm>>
      %dma_start3A_103 = arith.constant 0 : i32
      %dma_start3A_104 = tpu.memref_slice %arg4[%add3A_100, %dma_start3A_103] : memref<262144x256xf32, #tpu.memory_space<hbm>> -> memref<128x256xf32, #tpu.memory_space<hbm>>
      tpu.enqueue_dma source(%arg7 : memref<128x256xf32, #tpu.memory_space<vmem>>) target(%dma_start3A_104 : memref<128x256xf32, #tpu.memory_space<hbm>>) target_semaphore(%arg11 : memref<!tpu.dma_semaphore, #tpu.memory_space<semaphore_mem>>)
    }
    %scan3A_43 = arith.constant 31 : i32
    %dma_wait3A_44 = arith.constant 0 : i32
    %dma_wait3A_45 = tpu.memref_slice %arg4[%mul3A_2, %dma_wait3A_44] : memref<262144x256xf32, #tpu.memory_space<hbm>> -> memref<128x256xf32, #tpu.memory_space<hbm>>
    %dma_wait3A_46 = arith.constant 0 : i32
    %dma_wait3A_47 = tpu.memref_slice %arg4[%mul3A_2, %dma_wait3A_46] : memref<262144x256xf32, #tpu.memory_space<hbm>> -> memref<128x256xf32, #tpu.memory_space<hbm>>
    tpu.wait_dma2 semaphore(%arg10 : memref<!tpu.dma_semaphore, #tpu.memory_space<semaphore_mem>>) src(%arg6 : memref<128x256xf32, #tpu.memory_space<vmem>>) dst(%dma_wait3A_47 : memref<128x256xf32, #tpu.memory_space<hbm>>)
    %dma_wait3A_48 = arith.constant 0 : i32
    %dma_wait3A_49 = tpu.memref_slice %arg4[%mul3A_2, %dma_wait3A_48] : memref<262144x256xf32, #tpu.memory_space<hbm>> -> memref<128x256xf32, #tpu.memory_space<hbm>>
    %dma_wait3A_50 = arith.constant 0 : i32
    %dma_wait3A_51 = tpu.memref_slice %arg4[%mul3A_2, %dma_wait3A_50] : memref<262144x256xf32, #tpu.memory_space<hbm>> -> memref<128x256xf32, #tpu.memory_space<hbm>>
    tpu.wait_dma2 semaphore(%arg11 : memref<!tpu.dma_semaphore, #tpu.memory_space<semaphore_mem>>) src(%arg7 : memref<128x256xf32, #tpu.memory_space<vmem>>) dst(%dma_wait3A_51 : memref<128x256xf32, #tpu.memory_space<hbm>>)
    return
  }
}

</mosaic_0001>

<sc_bundles>
// kernel: kernel.3.cloned.1.call-start
scs
__scs_entry_jumppad:
0x0: {  	(pc) =	sbr.rel $0x88, $3  }
0x1: {  	(tag) =	ssettag $0x0;
	lr =	simm.s32 $0x1  }
0x2: {  	[smem:$0x3F9F] =	sst lr;
	_ =	strace $0xD0000000  }
0x3: {  	_ = 	snop  }
0x4: {  	_ = 	snop  }
0x5: {  	_ = 	snop  }
0x6: {  	_ = 	snop  }
0x7: {  	_ = 	snop  }
__scs_overlays_trampoline_lowered:
0x8: {  	[smem:$0x3FAE] =	sst s0  }
0x9: {  	[smem:$0x3FAF] =	sst s1  }
0xa: {  	[smem:$0x3FB0] =	sst s2  }
0xb: {  	[smem:$0x3FB1] =	sst s3  }
0xc: {  	[smem:$0x3FB2] =	sst s4  }
0xd: {  	[smem:$0x3FB3] =	sst s5  }
0xe: {  	[smem:$0x3FB4] =	sst s6  }
0xf: {  	[smem:$0x3FB5] =	sst s7  }
0x10: {  	[smem:$0x3FB6] =	sst s8  }
0x11: {  	[smem:$0x3FB7] =	sst s9;
	s0 =	simm.s32 @!p0 $0x0  }
0x12: {  	s1 =	sld [smem:$0x3F9D];
	s0 =	simm.s32 @p0 $0x1  }
0x13: {  	[smem:$0x3FB8] =	sst s0;
	s0 =	simm.s32 @!p1 $0x0  }
0x14: {  	s2 =	sld [smem:$0x3F9C];
	s0 =	simm.s32 @p1 $0x1  }
0x15: {  	[smem:$0x3FB9] =	sst s0;
	s0 =	simm.s32 @!p2 $0x0  }
0x16: {  	s3 =	sld [smem:$0x3FDB];
	s0 =	simm.s32 @p2 $0x1  }
0x17: {  	s4 =	simm.s32 $0x1BF5;
	[smem:$0x3FBB] =	sst s0  }
0x18: {  	s0 =	sld [smem:$0x3F9E];
	_ =	swait.ge [sflag:s4], $0x0  }
0x19: {  	s7 =	sld [smem:$0x3F9F]  }
0x1a: {  	s8 =	sadd.s32 $0xFFFFE003, lr  }
0x1b: {  	s9 =	sadd.s32 $0xFFFFFEF7, lr;
	s5 =	simm.s32 $0xFFFFFFFF;
	p2 =	slt.u32 s8, $0xFFFFF086  }
0x1c: {  	p1 =	slt.u32 s9, $0xF7A;
	s5 =	simm.s32 @!p2 $0x0  }
0x1d: {  	s5 =	simm.s32 @p1 $0x1;
	p0 =	seq.s32 s7, s2  }
0x1e: {  	s7 =	smul.u32 @!p0 $0xF7A, s2;
	p2 =	seq.s32 @!p0 s5, $0x0  }
0x1f: {  	s9 =	smul.u32 $0xF7A, s1;
	s8 =	simm.s32 @!p0 $0x1BF5;
	p2 =	por !p2, p0  }
0x20: {  	[sflag:s8] =	ssyncset.s32 @!p0 $0xFFFFF086;
	s6 =	sadd.s32 @!p0 s3, s7;
	s7 =	simm.s32 @!p0 $0x108  }
0x21: {  	s3 =	sadd.s32 s3, s9;
	s6 =	sadd.s32 @!p0 $0x88, s6;
	s7 =	simm.s32 @p2 $0x1082  }
0x22: {  	[simem:s7], [sflag:s8] =	dma.local @!p0 [hbm:s6], $0xF7A  }
0x23: {  	s9 =	sor.u32 $0xD0000000, s2;
	s6 =	simm.s32 $0x108;
	_ =	swait.ge @!p0 [sflag:s8], $0x0  }
0x24: {  	s3 =	sadd.s32 $0x88, s3;
	s6 =	simm.s32 @!p1 $0x1082;
	[sflag:s4] =	ssyncset.s32 $0xFFFFF086  }
0x25: {  	[simem:s6], [sflag:s4] =	dma.local [hbm:s3], $0xF7A  }
0x26: {  	[smem:$0x3F9F] =	sst s1;
	(tag) =	ssettag s2;
	_ =	strace s9  }
0x27: {  	s1 =	sld [smem:$0x3FAF]  }
0x28: {  	s2 =	sld [smem:$0x3FB0]  }
0x29: {  	s4 =	sld [smem:$0x3FB2]  }
0x2a: {  	p0 =	seq.s32 s5, $0x0;
	s5 =	sld [smem:$0x3FB3]  }
0x2b: {  	s6 =	sld [smem:$0x3FB4]  }
0x2c: {  	s7 =	sld [smem:$0x3FB5]  }
0x2d: {  	s3 =	simm.s32 $0x108;
	s8 =	sld [smem:$0x3FB6]  }
0x2e: {  	s3 =	simm.s32 @!p0 $0x1082;
	s9 =	sld [smem:$0x3FB7]  }
0x2f: {  	lr =	sadd.s32 s0, s3;
	s0 =	sld [smem:$0x3FAE]  }
0x30: {  	s3 =	sld [smem:$0x3FB1]  }
0x31: {  	[smem:$0x3FBA] =	sst s10  }
0x32: {  	s10 =	sld [smem:$0x3FB8];
	_ =	sdelay $0x3  }
0x33: {  	p0 =	seq.s32 s10, $0x1;
	s10 =	sld [smem:$0x3FBA];
	_ =	sdelay $0x3  }
0x34: {  	[smem:$0x3FBA] =	sst s10  }
0x35: {  	s10 =	sld [smem:$0x3FB9];
	_ =	sdelay $0x3  }
0x36: {  	p1 =	seq.s32 s10, $0x1;
	s10 =	sld [smem:$0x3FBA];
	_ =	sdelay $0x3  }
0x37: {  	[smem:$0x3FBA] =	sst s10  }
0x38: {  	s10 =	sld [smem:$0x3FBB]  }
0x39: {  	_ = 	snop;
	(pc) =	sbr.ind lr, $3  }
0x3a: {  	_ = 	snop  }
0x3b: {  	_ = 	snop  }
0x3c: {  	p2 =	seq.s32 s10, $0x1;
	s10 =	sld [smem:$0x3FBA]  }
0x3d: {  	_ =	shalt  }
0x3e: {  	_ =	shalt  }
0x3f: {  	_ =	shalt  }
0x40: {  	_ =	shalt  }
0x41: {  	_ =	shalt  }
0x42: {  	_ =	shalt  }
0x43: {  	_ =	shalt  }
0x44: {  	_ =	shalt  }
0x45: {  	_ =	shalt  }
0x46: {  	_ =	shalt  }
0x47: {  	_ =	shalt  }
0x48: {  	_ =	shalt  }
0x49: {  	_ =	shalt  }
0x4a: {  	_ =	shalt  }
0x4b: {  	_ =	shalt  }
0x4c: {  	_ =	shalt  }
0x4d: {  	_ =	shalt  }
0x4e: {  	_ =	shalt  }
0x4f: {  	_ =	shalt  }
0x50: {  	_ =	shalt  }
0x51: {  	_ =	shalt  }
0x52: {  	_ =	shalt  }
0x53: {  	_ =	shalt  }
0x54: {  	_ =	shalt  }
0x55: {  	_ =	shalt  }
0x56: {  	_ =	shalt  }
0x57: {  	_ =	shalt  }
0x58: {  	_ =	shalt  }
0x59: {  	_ =	shalt  }
0x5a: {  	_ =	shalt  }
0x5b: {  	_ =	shalt  }
0x5c: {  	_ =	shalt  }
0x5d: {  	_ =	shalt  }
0x5e: {  	_ =	shalt  }
0x5f: {  	_ =	shalt  }
0x60: {  	_ =	shalt  }
0x61: {  	_ =	shalt  }
0x62: {  	_ =	shalt  }
0x63: {  	_ =	shalt  }
0x64: {  	_ =	shalt  }
0x65: {  	_ =	shalt  }
0x66: {  	_ =	shalt  }
0x67: {  	_ =	shalt  }
0x68: {  	_ =	shalt  }
0x69: {  	_ =	shalt  }
0x6a: {  	_ =	shalt  }
0x6b: {  	_ =	shalt  }
0x6c: {  	_ =	shalt  }
0x6d: {  	_ =	shalt  }
0x6e: {  	_ =	shalt  }
0x6f: {  	_ =	shalt  }
0x70: {  	_ =	shalt  }
0x71: {  	_ =	shalt  }
0x72: {  	_ =	shalt  }
0x73: {  	_ =	shalt  }
0x74: {  	_ =	shalt  }
0x75: {  	_ =	shalt  }
0x76: {  	_ =	shalt  }
0x77: {  	_ =	shalt  }
0x78: {  	_ =	shalt  }
0x79: {  	_ =	shalt  }
0x7a: {  	_ =	shalt  }
0x7b: {  	_ =	shalt  }
0x7c: {  	_ =	shalt  }
0x7d: {  	_ =	shalt  }
0x7e: {  	_ =	shalt  }
0x7f: {  	_ =	shalt  }
0x80: {  	_ =	shalt  }
0x81: {  	_ =	shalt  }
0x82: {  	_ =	shalt  }
0x83: {  	_ =	shalt  }
0x84: {  	_ =	shalt  }
0x85: {  	_ =	shalt  }
0x86: {  	_ =	shalt  }
0x87: {  	_ =	shalt  }
.Lfunc_end0:
.L_simem_size_0:
called_computation.1_lowered:
.L_overlay_start_0:
0x88: {  	s2 =	sld [smem:$0x3FD9]  }
0x89: {  	s3 =	sld [smem:$0x3FFE];
	_ =	sdelay $0x1  }
0x8a: {  	s1 =	srdreg.scid  }
0x8b: {  	s0 =	sand.u32 $0x1, s1  }
0x8c: {  	s16 =	sshll.u32 s0, $0xA;
	s2 =	sadd.s32 s3, s2  }
0x8d: {  	s2 =	sadd.s32 s2, s16  }
0x8e: {  	[smem:$0x3FC6] =	sst s2  }
0x8f: {  	_ = 	snop  }
0x90: {  	(tm) =	ssettm $0x1  }
0x91: {  	s17 =	sld [smem:$0x3FFB];
	_ =	sdelay $0x3  }
0x92: {  	_ =	strace s17  }
0x93: {  	s2 =	sld [smem:$0x3FFC];
	_ =	sdelay $0x3  }
0x94: {  	_ =	strace s2  }
0x95: {  	s2 =	sld [smem:$0x3FFD];
	_ =	sdelay $0x3  }
0x96: {  	_ =	strace s2  }
0x97: {  	_ =	strace $0x8FFFFFFF  }
0x98: {  	s18 =	sld [smem:$0x3FDB];
	_ =	sdelay $0x1  }
0x99: {  	s19 =	simm.s32 $_scs_section_size  }
0x9a: {  	s4 =	simm.s32 $_size__tile_overlayer_lowered;
	s5 =	simm.s32 $_tile_overlayer_lowered  }
0x9b: {  	s22 =	simm.s32 $0x1BFF;
	s21 =	sshll.u32 s5, $0x1;
	s2 =	sadd.s32 s19, s18  }
0x9c: {  	s6 =	simm.s32 $0x0;
	s20 =	sshll.u32 s4, $0x1;
	s4 =	sadd.s32 s21, s2  }
0x9d: {  	[timem:s6], [sflag:s22] =	dma.local [hbm:s4], s20  }
0x9e: {  	_ =	swait.ge [sflag:s22], s20  }
0x9f: {  	s3 =	ssub.s32 $0x0, s20;
	[sflag:s22] =	ssyncset.done $0x0  }
0xa0: {  	[sflag:s22] =	ssyncadd.s32 s3;
	_ =	sdelay $0x1  }
0xa1: {  	s23 =	simm.s32 $0x1B8B  }
0xa2: {  	_ =	swait.ge [sflag:s23], $0x1  }
0xa3: {  	[sflag:s23] =	ssyncset.done $0x0  }
0xa4: {  	s25 =	simm.s32 $0x1B8E;
	s24 =	sld [smem:$0x3FFE];
	[sflag:s23] =	ssyncadd.s32 $0xFFFFFFFF  }
0xa5: {  	s26 =	simm.s32 $execute0_lowered;
	[smem:$0x3FD2] =	sst s25  }
0xa6: {  	s4 =	sshll.u32 s26, $0x1;
	_ =	strace $0x80000046;
	[dreg:$0x1] =	wrdreg $0xFFFFFFFF  }
0xa7: {  	s28 =	simm.s32 $_size_execute0_lowered;
	s2 =	sadd.s32 s2, s4;
	[dreg:$0x0] =	wrdreg $0x0  }
0xa8: {  	s4 =	sshll.u32 s28, $0x1;
	[dreg:$0x2] =	wrdreg s2  }
0xa9: {  	[dreg:$0x3] =	wrdreg s4  }
0xaa: {  	[dreg:$0x4] =	wrdreg $0xC0  }
0xab: {  	_ =	task [dreg:s6], $0x5FFFF  }
0xac: {  	[dreg:$0x1] =	wrdreg $0xFFFFFFFF  }
0xad: {  	[dreg:$0x0] =	wrdreg $0x60  }
0xae: {  	[dreg:$0x2] =	wrdreg s24  }
0xaf: {  	[dreg:$0x3] =	wrdreg $0x9  }
0xb0: {  	_ =	task.clear_ibuf [dreg:s6], $0x4FFFF;
	_ =	strace $0x90000046  }
0xb1: {  	s29 =	simm.s32 $0x9;
	_ =	strace $0x80000048  }
0xb2: {  	_ =	swait.ge [sflag:s29], $0x1  }
0xb3: {  	[sflag:s29] =	ssyncadd.s32 $0xFFFFFFFF  }
0xb4: {  	_ =	strace $0x90000048  }
0xb5: {  	_ =	sfence  }
0xb6: {  	s30 =	sld [smem:$0x0];
	_ =	sdelay $0x2  }
0xb7: {  	s31 =	sshll.u32 s1, $0xD;
	s1 =	sshrl.u32 s1, $0x2  }
0xb8: {  	s3 =	sand.u32 $0x4000, s31;
	s1 =	sadd.s32 s1, s30  }
0xb9: {  	s0 =	sor.u32 s3, s0;
	s1 =	sshll.u32 s1, $0x11  }
0xba: {  	s0 =	sor.u32 s1, s0  }
0xbb: {  	s0 =	sadd.s32 $0x8F2B, s0  }
0xbc: {  	[sflag:s0] =	ssyncadd.remote.s32 $0x1  }
0xbd: {  	_ =	sfence.sel $0xFFFF  }
0xbe: {  	[dreg:$0x0] =	wrdreg $0xFFFFFFFF;
	(pc) =	sbr.abs _section_cstart, $3  }
0xbf: {  	[dreg:$0x1] =	wrdreg $0xFFFFFFFF  }
0xc0: {  	_ =	task.clear_ibuf [dreg:s6], $0x2FFFF;
	_ =	strace $0x9FFFFFFF  }
0xc1: {  	(tm) =	ssettm $0x7FFFFFFF  }
tec
execute0_lowered:
.L_overlay_start_1:
0x0: {  	(tag) =	ssettag $0x1  }
0x1: {  	s0 =	rddreg [dreg:$0x0]  }
0x2: {  	s1 =	srdreg.scid;
	s2 =	simm.s32 $0x0;
	s8 =	stileid.u32  }
0x3: {  	s31 =	simm.s32 $0x2000;
	s19 =	simm.s32 $0x2800;
	s20 =	simm.s32 $0x3000  }
0x4: {  	s18 =	simm.s32 $0x3800;
	s21 =	simm.s32 $0x4000;
	s22 =	simm.s32 $0x4800  }
0x5: {  	s23 =	simm.s32 $0x5000;
	s24 =	simm.s32 $0x5800;
	s28 =	simm.s32 $0x6800  }
0x6: {  	s29 =	simm.s32 $0x7000;
	s30 =	simm.s32 $0x7800;
	s10 =	simm.s32 $0xC000  }
0x7: {  	s11 =	simm.s32 $0xC800;
	s12 =	simm.s32 $0xD000;
	s9 =	simm.s32 $0xD800  }
0x8: {  	s13 =	simm.s32 $0x1;
	s14 =	simm.s32 $0x2;
	s15 =	simm.s32 $0x3  }
0x9: {  	s16 =	simm.s32 $0x4;
	s17 =	simm.s32 $0x0;
	s1 =	sand.u32 $0x1, s1  }
0xa: {  	[smem:$0x7FF] =	sst s2;
	s3 =	sshll.u32 s8, $0xE;
	s25 =	sshll.u32 s8, $0x13  }
0xb: {  	s8 =	simm.s32 $0xB800;
	s4 =	sshll.u32 s1, $0xD;
	_ =	strace $0x80000047  }
0xc: {  	s5 =	ssub.s32 $0x2, s1;
	s1 =	sshll.u32 s1, $0x12;
	[dreg:$0x7] =	wrdreg s17  }
0xd: {  	s4 =	sor.u32 s4, s3;
	s3 =	sadd.s32 $0x8800, s0;
	s7 =	sshrl.u32 s5, $0x1  }
0xe: {  	s6 =	sshrl.u32 s4, $0x3;
	s5 =	ssub.s32 s5, s7;
	s4 =	sshll.u32 s4, $0x5  }
0xf: {  	s7 =	simm.s32 $0xA800;
	s6 =	sadd.s32 s6, s0;
	s0 =	sadd.s32 $0x108800, s0  }
0x10: {  	s26 =	smax.u32 s5, $0x1;
	s5 =	simm.s32 $0xB000;
	s6 =	sadd.s32 $0x800, s6  }
0x11: {  	s4 =	sadd.s32 s0, s4;
	s0 =	sadd.s32 s25, s0;
	[dreg:$0x6] =	wrdreg s26  }
0x12: {  	s26 =	simm.s32 $0x6000;
	s25 =	simm.s32 $0xA000;
	[dreg:$0x3] =	wrdreg s6  }
0x13: {  	v2 =	vlaneseq.u32;
	[dreg:$0x4] =	wrdreg s4;
	s4 =	sadd.s32 $0x1000, s4;
	s0 =	sadd.s32 s1, s0  }
0x14: {  	vm0 =	vmmov $0xffff;
	v1 =	vshrl.u32 v2, $0x3;
	s1 =	simm.s32 $0x8800;
	s6 =	simm.s32 $0x9800;
	[dreg:$0x5] =	wrdreg s4  }
0x15: {  	v0 =	vand.u32 $0x7, v2;
	v2 =	vor.u32 $0x8, v2;
	v1 =	vmul.u32 $0x8, v1;
	[dreg:$0x2] =	wrdreg s0;
	s0 =	simm.s32 $0x8000;
	s4 =	simm.s32 $0x9000  }
.LBB2_1:
0x16: {  	s17 =	rddreg [dreg:$0x3]  }
0x17: {  	[tilespmem:s2], [sflag:$0x5] =	stream.linear.gather [hbm4b:s17+s2], $0x2000, $0x38;
	[tilespmem:$0x12000] =	vst v63  }
0x18: {  	s17 =	simm.s32 $0x5  }
0x19: {  	_ =	swait.ge [sflag:s17], $0x2000  }
0x1a: {  	[sflag:s17] =	ssyncset.done $0x0  }
0x1b: {  	[sflag:s17] =	ssyncadd.s32 $0xFFFFE000  }
0x1c: {  	v3 =	vld [tilespmem:$0x0];
	_ =	sdelay $0x4  }
0x1d: {  	v4 =	vshll.u32 v3, $0x1  }
0x1e: {  	v3 =	vand.u32 $0x7, v3;
	v4 =	vand.u32 $0xFFFFFFF0, v4  }
0x1f: {  	v3 =	vor.u32 v3, v4  }
0x20: {  	v4 =	vperm.xlane v3, v0;
	_ =	sdelay $0x1  }
0x21: {  	v3 =	vperm.xlane v3, v2;
	v4 =	vadd.s32 v1, v4;
	_ =	sdelay $0x1  }
0x22: {  	v3 =	vadd.s32 v1, v3;
	_ =	sdelay $0x2  }
0x23: {  	[tilespmem:s31], [sflag:$0x1] =	stream.indirect_vreg.gather [hbm4b:s3+s2], $0x80, v4, vm0, $0xb8;
	[tilespmem:$0x12000] =	vst v63  }
0x24: {  	_ = 	snop  }
0x25: {  	[tilespmem:s19], [sflag:$0x1] =	stream.indirect_vreg.gather [hbm4b:s3+s2], $0x80, v3, vm0, $0xb8;
	[tilespmem:$0x12000] =	vst v63  }
0x26: {  	v3 =	vld [tilespmem:$0x10];
	_ =	sdelay $0x4  }
0x27: {  	v49 =	vshll.u32 v3, $0x1  }
0x28: {  	v3 =	vand.u32 $0x7, v3;
	v4 =	vand.u32 $0xFFFFFFF0, v49  }
0x29: {  	v3 =	vor.u32 v3, v4  }
0x2a: {  	v4 =	vperm.xlane v3, v0;
	_ =	sdelay $0x1  }
0x2b: {  	v3 =	vperm.xlane v3, v2;
	v4 =	vadd.s32 v1, v4;
	_ =	sdelay $0x1  }
0x2c: {  	v3 =	vadd.s32 v1, v3;
	_ =	sdelay $0x2  }
0x2d: {  	[tilespmem:s20], [sflag:$0x1] =	stream.indirect_vreg.gather [hbm4b:s3+s2], $0x80, v4, vm0, $0xb8;
	[tilespmem:$0x12000] =	vst v63  }
0x2e: {  	_ = 	snop  }
0x2f: {  	[tilespmem:s18], [sflag:$0x1] =	stream.indirect_vreg.gather [hbm4b:s3+s2], $0x80, v3, vm0, $0xb8;
	[tilespmem:$0x12000] =	vst v63  }
0x30: {  	v3 =	vld [tilespmem:$0x20];
	_ =	sdelay $0x4  }
0x31: {  	v50 =	vshll.u32 v3, $0x1  }
0x32: {  	v3 =	vand.u32 $0x7, v3;
	v4 =	vand.u32 $0xFFFFFFF0, v50  }
0x33: {  	v3 =	vor.u32 v3, v4  }
0x34: {  	v4 =	vperm.xlane v3, v0;
	_ =	sdelay $0x1  }
0x35: {  	v3 =	vperm.xlane v3, v2;
	v4 =	vadd.s32 v1, v4;
	_ =	sdelay $0x1  }
0x36: {  	v3 =	vadd.s32 v1, v3;
	_ =	sdelay $0x2  }
0x37: {  	[tilespmem:s21], [sflag:$0x1] =	stream.indirect_vreg.gather [hbm4b:s3+s2], $0x80, v4, vm0, $0xb8;
	[tilespmem:$0x12000] =	vst v63  }
0x38: {  	_ = 	snop  }
0x39: {  	[tilespmem:s22], [sflag:$0x1] =	stream.indirect_vreg.gather [hbm4b:s3+s2], $0x80, v3, vm0, $0xb8;
	[tilespmem:$0x12000] =	vst v63  }
0x3a: {  	v3 =	vld [tilespmem:$0x30];
	_ =	sdelay $0x4  }
0x3b: {  	v51 =	vshll.u32 v3, $0x1  }
0x3c: {  	v3 =	vand.u32 $0x7, v3;
	v4 =	vand.u32 $0xFFFFFFF0, v51  }
0x3d: {  	v3 =	vor.u32 v3, v4  }
0x3e: {  	v4 =	vperm.xlane v3, v0;
	_ =	sdelay $0x1  }
0x3f: {  	v3 =	vperm.xlane v3, v2;
	v4 =	vadd.s32 v1, v4;
	_ =	sdelay $0x1  }
0x40: {  	v3 =	vadd.s32 v1, v3;
	_ =	sdelay $0x2  }
0x41: {  	[tilespmem:s23], [sflag:$0x1] =	stream.indirect_vreg.gather [hbm4b:s3+s2], $0x80, v4, vm0, $0xb8;
	[tilespmem:$0x12000] =	vst v63  }
0x42: {  	_ = 	snop  }
0x43: {  	[tilespmem:s24], [sflag:$0x1] =	stream.indirect_vreg.gather [hbm4b:s3+s2], $0x80, v3, vm0, $0xb8;
	[tilespmem:$0x12000] =	vst v63  }
0x44: {  	v3 =	vld [tilespmem:$0x40];
	_ =	sdelay $0x4  }
0x45: {  	v52 =	vshll.u32 v3, $0x1  }
0x46: {  	v3 =	vand.u32 $0x7, v3;
	v4 =	vand.u32 $0xFFFFFFF0, v52  }
0x47: {  	v3 =	vor.u32 v3, v4  }
0x48: {  	v4 =	vperm.xlane v3, v0;
	_ =	sdelay $0x1  }
0x49: {  	v3 =	vperm.xlane v3, v2;
	v4 =	vadd.s32 v1, v4;
	_ =	sdelay $0x1  }
0x4a: {  	v3 =	vadd.s32 v1, v3;
	_ =	sdelay $0x2  }
0x4b: {  	[tilespmem:s26], [sflag:$0x1] =	stream.indirect_vreg.gather [hbm4b:s3+s2], $0x80, v4, vm0, $0xb8;
	[tilespmem:$0x12000] =	vst v63  }
0x4c: {  	_ = 	snop  }
0x4d: {  	[tilespmem:s28], [sflag:$0x1] =	stream.indirect_vreg.gather [hbm4b:s3+s2], $0x80, v3, vm0, $0xb8;
	[tilespmem:$0x12000] =	vst v63  }
0x4e: {  	v3 =	vld [tilespmem:$0x50];
	_ =	sdelay $0x4  }
0x4f: {  	v53 =	vshll.u32 v3, $0x1  }
0x50: {  	v3 =	vand.u32 $0x7, v3;
	v4 =	vand.u32 $0xFFFFFFF0, v53  }
0x51: {  	v3 =	vor.u32 v3, v4  }
0x52: {  	v4 =	vperm.xlane v3, v0;
	_ =	sdelay $0x1  }
0x53: {  	v3 =	vperm.xlane v3, v2;
	v4 =	vadd.s32 v1, v4;
	_ =	sdelay $0x1  }
0x54: {  	v3 =	vadd.s32 v1, v3;
	_ =	sdelay $0x2  }
0x55: {  	[tilespmem:s29], [sflag:$0x1] =	stream.indirect_vreg.gather [hbm4b:s3+s2], $0x80, v4, vm0, $0xb8;
	[tilespmem:$0x12000] =	vst v63  }
0x56: {  	_ = 	snop  }
0x57: {  	[tilespmem:s30], [sflag:$0x1] =	stream.indirect_vreg.gather [hbm4b:s3+s2], $0x80, v3, vm0, $0xb8;
	[tilespmem:$0x12000] =	vst v63  }
0x58: {  	v3 =	vld [tilespmem:$0x60];
	_ =	sdelay $0x4  }
0x59: {  	v54 =	vshll.u32 v3, $0x1  }
0x5a: {  	v3 =	vand.u32 $0x7, v3;
	v4 =	vand.u32 $0xFFFFFFF0, v54  }
0x5b: {  	v3 =	vor.u32 v3, v4  }
0x5c: {  	v4 =	vperm.xlane v3, v0;
	_ =	sdelay $0x1  }
0x5d: {  	v3 =	vperm.xlane v3, v2;
	v4 =	vadd.s32 v1, v4;
	_ =	sdelay $0x1  }
0x5e: {  	v3 =	vadd.s32 v1, v3;
	_ =	sdelay $0x2  }
0x5f: {  	[tilespmem:s0], [sflag:$0x1] =	stream.indirect_vreg.gather [hbm4b:s3+s2], $0x80, v4, vm0, $0xb8;
	[tilespmem:$0x12000] =	vst v63  }
0x60: {  	_ = 	snop  }
0x61: {  	[tilespmem:s1], [sflag:$0x1] =	stream.indirect_vreg.gather [hbm4b:s3+s2], $0x80, v3, vm0, $0xb8;
	[tilespmem:$0x12000] =	vst v63  }
0x62: {  	v3 =	vld [tilespmem:$0x70];
	_ =	sdelay $0x4  }
0x63: {  	v55 =	vshll.u32 v3, $0x1  }
0x64: {  	v3 =	vand.u32 $0x7, v3;
	v4 =	vand.u32 $0xFFFFFFF0, v55  }
0x65: {  	v3 =	vor.u32 v3, v4  }
0x66: {  	v4 =	vperm.xlane v3, v0;
	_ =	sdelay $0x1  }
0x67: {  	v3 =	vperm.xlane v3, v2;
	v4 =	vadd.s32 v1, v4;
	_ =	sdelay $0x1  }
0x68: {  	v3 =	vadd.s32 v1, v3;
	_ =	sdelay $0x2  }
0x69: {  	[tilespmem:s4], [sflag:$0x1] =	stream.indirect_vreg.gather [hbm4b:s3+s2], $0x80, v4, vm0, $0xb8;
	[tilespmem:$0x12000] =	vst v63  }
0x6a: {  	_ = 	snop  }
0x6b: {  	[tilespmem:s6], [sflag:$0x1] =	stream.indirect_vreg.gather [hbm4b:s3+s2], $0x80, v3, vm0, $0xb8;
	[tilespmem:$0x12000] =	vst v63  }
0x6c: {  	v3 =	vld [tilespmem:$0x80];
	_ =	sdelay $0x4  }
0x6d: {  	v56 =	vshll.u32 v3, $0x1  }
0x6e: {  	v3 =	vand.u32 $0x7, v3;
	v4 =	vand.u32 $0xFFFFFFF0, v56  }
0x6f: {  	v3 =	vor.u32 v3, v4  }
0x70: {  	v4 =	vperm.xlane v3, v0;
	_ =	sdelay $0x1  }
0x71: {  	v3 =	vperm.xlane v3, v2;
	v4 =	vadd.s32 v1, v4;
	_ =	sdelay $0x1  }
0x72: {  	v3 =	vadd.s32 v1, v3;
	_ =	sdelay $0x2  }
0x73: {  	[tilespmem:s25], [sflag:$0x2] =	stream.indirect_vreg.gather [hbm4b:s3+s2], $0x80, v4, vm0, $0xb8;
	[tilespmem:$0x12000] =	vst v63  }
0x74: {  	_ = 	snop  }
0x75: {  	[tilespmem:s7], [sflag:$0x2] =	stream.indirect_vreg.gather [hbm4b:s3+s2], $0x80, v3, vm0, $0xb8;
	[tilespmem:$0x12000] =	vst v63  }
0x76: {  	v3 =	vld [tilespmem:$0x90];
	_ =	sdelay $0x4  }
0x77: {  	v57 =	vshll.u32 v3, $0x1  }
0x78: {  	v3 =	vand.u32 $0x7, v3;
	v4 =	vand.u32 $0xFFFFFFF0, v57  }
0x79: {  	v3 =	vor.u32 v3, v4  }
0x7a: {  	v4 =	vperm.xlane v3, v0;
	_ =	sdelay $0x1  }
0x7b: {  	v3 =	vperm.xlane v3, v2;
	v4 =	vadd.s32 v1, v4;
	_ =	sdelay $0x1  }
0x7c: {  	v3 =	vadd.s32 v1, v3;
	_ =	sdelay $0x2  }
0x7d: {  	[tilespmem:s5], [sflag:$0x2] =	stream.indirect_vreg.gather [hbm4b:s3+s2], $0x80, v4, vm0, $0xb8;
	[tilespmem:$0x12000] =	vst v63  }
0x7e: {  	_ = 	snop  }
0x7f: {  	[tilespmem:s8], [sflag:$0x2] =	stream.indirect_vreg.gather [hbm4b:s3+s2], $0x80, v3, vm0, $0xb8;
	[tilespmem:$0x12000] =	vst v63  }
0x80: {  	v3 =	vld [tilespmem:$0xA0];
	_ =	sdelay $0x4  }
0x81: {  	v58 =	vshll.u32 v3, $0x1  }
0x82: {  	v3 =	vand.u32 $0x7, v3;
	v4 =	vand.u32 $0xFFFFFFF0, v58  }
0x83: {  	v3 =	vor.u32 v3, v4  }
0x84: {  	v4 =	vperm.xlane v3, v0;
	_ =	sdelay $0x1  }
0x85: {  	v3 =	vperm.xlane v3, v2;
	v4 =	vadd.s32 v1, v4;
	_ =	sdelay $0x1  }
0x86: {  	v3 =	vadd.s32 v1, v3;
	_ =	sdelay $0x2  }
0x87: {  	[tilespmem:s10], [sflag:$0x2] =	stream.indirect_vreg.gather [hbm4b:s3+s2], $0x80, v4, vm0, $0xb8;
	[tilespmem:$0x12000] =	vst v63  }
0x88: {  	_ = 	snop  }
0x89: {  	[tilespmem:s11], [sflag:$0x2] =	stream.indirect_vreg.gather [hbm4b:s3+s2], $0x80, v3, vm0, $0xb8;
	[tilespmem:$0x12000] =	vst v63  }
0x8a: {  	v3 =	vld [tilespmem:$0xB0];
	_ =	sdelay $0x4  }
0x8b: {  	v59 =	vshll.u32 v3, $0x1  }
0x8c: {  	v3 =	vand.u32 $0x7, v3;
	v4 =	vand.u32 $0xFFFFFFF0, v59  }
0x8d: {  	v3 =	vor.u32 v3, v4  }
0x8e: {  	v4 =	vperm.xlane v3, v0;
	_ =	sdelay $0x1  }
0x8f: {  	v3 =	vperm.xlane v3, v2;
	v4 =	vadd.s32 v1, v4;
	_ =	sdelay $0x1  }
0x90: {  	v3 =	vadd.s32 v1, v3;
	_ =	sdelay $0x2  }
0x91: {  	[tilespmem:s12], [sflag:$0x2] =	stream.indirect_vreg.gather [hbm4b:s3+s2], $0x80, v4, vm0, $0xb8;
	[tilespmem:$0x12000] =	vst v63  }
0x92: {  	_ = 	snop  }
0x93: {  	[tilespmem:s9], [sflag:$0x2] =	stream.indirect_vreg.gather [hbm4b:s3+s2], $0x80, v3, vm0, $0xb8;
	[tilespmem:$0x12000] =	vst v63  }
0x94: {  	v3 =	vld [tilespmem:$0xC0];
	_ =	sdelay $0x4  }
0x95: {  	v60 =	vshll.u32 v3, $0x1  }
0x96: {  	v3 =	vand.u32 $0x7, v3;
	v4 =	vand.u32 $0xFFFFFFF0, v60  }
0x97: {  	v3 =	vor.u32 v3, v4  }
0x98: {  	v4 =	vperm.xlane v3, v0;
	_ =	sdelay $0x1  }
0x99: {  	v3 =	vperm.xlane v3, v2;
	v4 =	vadd.s32 v1, v4;
	_ =	sdelay $0x1  }
0x9a: {  	v3 =	vadd.s32 v1, v3;
	_ =	sdelay $0x1  }
0x9b: {  	s10 =	simm.s32 $0xE000  }
0x9c: {  	[tilespmem:s10], [sflag:$0x2] =	stream.indirect_vreg.gather [hbm4b:s3+s2], $0x80, v4, vm0, $0xb8;
	[tilespmem:$0x12000] =	vst v63  }
0x9d: {  	s11 =	simm.s32 $0xE800  }
0x9e: {  	[tilespmem:s11], [sflag:$0x2] =	stream.indirect_vreg.gather [hbm4b:s3+s2], $0x80, v3, vm0, $0xb8;
	[tilespmem:$0x12000] =	vst v63  }
0x9f: {  	v3 =	vld [tilespmem:$0xD0];
	_ =	sdelay $0x4  }
0xa0: {  	v61 =	vshll.u32 v3, $0x1  }
0xa1: {  	v3 =	vand.u32 $0x7, v3;
	v4 =	vand.u32 $0xFFFFFFF0, v61  }
0xa2: {  	v3 =	vor.u32 v3, v4  }
0xa3: {  	v4 =	vperm.xlane v3, v0;
	_ =	sdelay $0x1  }
0xa4: {  	v3 =	vperm.xlane v3, v2;
	v4 =	vadd.s32 v1, v4;
	_ =	sdelay $0x1  }
0xa5: {  	v3 =	vadd.s32 v1, v3;
	_ =	sdelay $0x1  }
0xa6: {  	s12 =	simm.s32 $0xF000  }
0xa7: {  	[tilespmem:s12], [sflag:$0x2] =	stream.indirect_vreg.gather [hbm4b:s3+s2], $0x80, v4, vm0, $0xb8;
	[tilespmem:$0x12000] =	vst v63  }
0xa8: {  	s17 =	simm.s32 $0xF800  }
0xa9: {  	[tilespmem:s17], [sflag:$0x2] =	stream.indirect_vreg.gather [hbm4b:s3+s2], $0x80, v3, vm0, $0xb8;
	[tilespmem:$0x12000] =	vst v63  }
0xaa: {  	v3 =	vld [tilespmem:$0xE0];
	_ =	sdelay $0x4  }
0xab: {  	v62 =	vshll.u32 v3, $0x1  }
0xac: {  	v3 =	vand.u32 $0x7, v3;
	v4 =	vand.u32 $0xFFFFFFF0, v62  }
0xad: {  	v3 =	vor.u32 v3, v4  }
0xae: {  	v4 =	vperm.xlane v3, v0;
	_ =	sdelay $0x1  }
0xaf: {  	v3 =	vperm.xlane v3, v2;
	v4 =	vadd.s32 v1, v4;
	_ =	sdelay $0x1  }
0xb0: {  	v3 =	vadd.s32 v1, v3;
	_ =	sdelay $0x1  }
0xb1: {  	s18 =	simm.s32 $0x10000  }
0xb2: {  	[tilespmem:s18], [sflag:$0x2] =	stream.indirect_vreg.gather [hbm4b:s3+s2], $0x80, v4, vm0, $0xb8;
	[tilespmem:$0x12000] =	vst v63  }
0xb3: {  	s21 =	simm.s32 $0x10800  }
0xb4: {  	[tilespmem:s21], [sflag:$0x2] =	stream.indirect_vreg.gather [hbm4b:s3+s2], $0x80, v3, vm0, $0xb8;
	[tilespmem:$0x12000] =	vst v63  }
0xb5: {  	v3 =	vld [tilespmem:$0xF0];
	_ =	sdelay $0x4  }
0xb6: {  	v63 =	vshll.u32 v3, $0x1  }
0xb7: {  	v3 =	vand.u32 $0x7, v3;
	v4 =	vand.u32 $0xFFFFFFF0, v63  }
0xb8: {  	v3 =	vor.u32 v3, v4  }
0xb9: {  	v4 =	vperm.xlane v3, v0;
	_ =	sdelay $0x1  }
0xba: {  	v3 =	vperm.xlane v3, v2;
	v4 =	vadd.s32 v1, v4;
	_ =	sdelay $0x1  }
0xbb: {  	s22 =	simm.s32 $0x11000;
	s23 =	simm.s32 $0x11800;
	s28 =	simm.s32 $0x6000;
	v3 =	vadd.s32 v1, v3  }
0xbc: {  	s29 =	simm.s32 $0x6800;
	s30 =	simm.s32 $0x7000;
	s0 =	simm.s32 $0xA000  }
0xbd: {  	s1 =	simm.s32 $0x8800;
	s4 =	simm.s32 $0x9000;
	s6 =	simm.s32 $0x9800  }
0xbe: {  	[tilespmem:s22], [sflag:$0x2] =	stream.indirect_vreg.gather [hbm4b:s3+s2], $0x80, v4, vm0, $0xb8;
	[tilespmem:$0x12000] =	vst v63  }
0xbf: {  	s7 =	simm.s32 $0xA800;
	s5 =	simm.s32 $0xB000;
	s8 =	simm.s32 $0xB800  }
0xc0: {  	[tilespmem:s23], [sflag:$0x2] =	stream.indirect_vreg.gather [hbm4b:s3+s2], $0x80, v3, vm0, $0xb8;
	[tilespmem:$0x12000] =	vst v63  }
0xc1: {  	s9 =	simm.s32 $0xD800;
	s10 =	simm.s32 $0xC000;
	_ =	swait.ge [sflag:s13], $0x8000  }
0xc2: {  	s11 =	simm.s32 $0xC800;
	s12 =	simm.s32 $0xD000;
	[sflag:s13] =	ssyncset.done $0x0  }
0xc3: {  	s17 =	simm.s32 $0xFFFC2000;
	s24 =	rddreg [dreg:$0x4];
	[sflag:s13] =	ssyncadd.s32 $0xFFFF8000  }
0xc4: {  	[hbm4b:s24+s2] =	stream.linear.scatter [tilespmem:s31], [sflag:$0x3], $0x8000, $0x38;
	[tilespmem:$0x12000] =	vst v63  }
0xc5: {  	s18 =	simm.s32 $0x1F0;
	s21 =	simm.s32 $0x3800;
	_ =	swait.ge [sflag:s14], $0x8000  }
0xc6: {  	s22 =	simm.s32 $0x4000;
	s23 =	simm.s32 $0x4800;
	[sflag:s14] =	ssyncset.done $0x0  }
0xc7: {  	s31 =	simm.s32 $0x7800;
	s26 =	rddreg [dreg:$0x5];
	[sflag:s14] =	ssyncadd.s32 $0xFFFF8000  }
0xc8: {  	[hbm4b:s26+s2] =	stream.linear.scatter [tilespmem:s25], [sflag:$0x4], $0x8000, $0x38;
	[tilespmem:$0x12000] =	vst v63  }
0xc9: {  	s24 =	simm.s32 $0x5000;
	s25 =	simm.s32 $0x2000;
	s26 =	simm.s32 $0x5800  }
.LBB2_2:
0xca: {  	_ =	swait.ge [sflag:s15], $0x8000  }
0xcb: {  	[sflag:s15] =	ssyncset.done $0x0  }
0xcc: {  	[sflag:s15] =	ssyncadd.s32 $0xFFFF8000  }
0xcd: {  	v3 =	vld [tilespmem:s18+$0xFFFFFF10];
	_ =	sdelay $0x4  }
0xce: {  	v4 =	vshll.u32 v3, $0x1  }
0xcf: {  	v3 =	vand.u32 $0x7, v3;
	v4 =	vand.u32 $0xFFFFFFF0, v4  }
0xd0: {  	v3 =	vor.u32 v3, v4  }
0xd1: {  	v4 =	vperm.xlane v3, v0;
	_ =	sdelay $0x1  }
0xd2: {  	v3 =	vperm.xlane v3, v2;
	v4 =	vadd.s32 v1, v4;
	_ =	sdelay $0x1  }
0xd3: {  	v3 =	vadd.s32 v1, v3;
	_ =	sdelay $0x2  }
0xd4: {  	[tilespmem:s25], [sflag:$0x1] =	stream.indirect_vreg.gather [hbm4b:s3+s2], $0x80, v4, vm0, $0xb8;
	[tilespmem:$0x12000] =	vst v63  }
0xd5: {  	_ = 	snop  }
0xd6: {  	[tilespmem:s19], [sflag:$0x1] =	stream.indirect_vreg.gather [hbm4b:s3+s2], $0x80, v3, vm0, $0xb8;
	[tilespmem:$0x12000] =	vst v63  }
0xd7: {  	v3 =	vld [tilespmem:s18+$0xFFFFFF20];
	_ =	sdelay $0x4  }
0xd8: {  	v49 =	vshll.u32 v3, $0x1  }
0xd9: {  	v3 =	vand.u32 $0x7, v3;
	v4 =	vand.u32 $0xFFFFFFF0, v49  }
0xda: {  	v3 =	vor.u32 v3, v4  }
0xdb: {  	v4 =	vperm.xlane v3, v0;
	_ =	sdelay $0x1  }
0xdc: {  	v3 =	vperm.xlane v3, v2;
	v4 =	vadd.s32 v1, v4;
	_ =	sdelay $0x1  }
0xdd: {  	v3 =	vadd.s32 v1, v3;
	_ =	sdelay $0x2  }
0xde: {  	[tilespmem:s20], [sflag:$0x1] =	stream.indirect_vreg.gather [hbm4b:s3+s2], $0x80, v4, vm0, $0xb8;
	[tilespmem:$0x12000] =	vst v63  }
0xdf: {  	_ = 	snop  }
0xe0: {  	[tilespmem:s21], [sflag:$0x1] =	stream.indirect_vreg.gather [hbm4b:s3+s2], $0x80, v3, vm0, $0xb8;
	[tilespmem:$0x12000] =	vst v63  }
0xe1: {  	v3 =	vld [tilespmem:s18+$0xFFFFFF30];
	_ =	sdelay $0x4  }
0xe2: {  	v50 =	vshll.u32 v3, $0x1  }
0xe3: {  	v3 =	vand.u32 $0x7, v3;
	v4 =	vand.u32 $0xFFFFFFF0, v50  }
0xe4: {  	v3 =	vor.u32 v3, v4  }
0xe5: {  	v4 =	vperm.xlane v3, v0;
	_ =	sdelay $0x1  }
0xe6: {  	v3 =	vperm.xlane v3, v2;
	v4 =	vadd.s32 v1, v4;
	_ =	sdelay $0x1  }
0xe7: {  	v3 =	vadd.s32 v1, v3;
	_ =	sdelay $0x2  }
0xe8: {  	[tilespmem:s22], [sflag:$0x1] =	stream.indirect_vreg.gather [hbm4b:s3+s2], $0x80, v4, vm0, $0xb8;
	[tilespmem:$0x12000] =	vst v63  }
0xe9: {  	_ = 	snop  }
0xea: {  	[tilespmem:s23], [sflag:$0x1] =	stream.indirect_vreg.gather [hbm4b:s3+s2], $0x80, v3, vm0, $0xb8;
	[tilespmem:$0x12000] =	vst v63  }
0xeb: {  	v3 =	vld [tilespmem:s18+$0xFFFFFF40];
	_ =	sdelay $0x4  }
0xec: {  	v51 =	vshll.u32 v3, $0x1  }
0xed: {  	v3 =	vand.u32 $0x7, v3;
	v4 =	vand.u32 $0xFFFFFFF0, v51  }
0xee: {  	v3 =	vor.u32 v3, v4  }
0xef: {  	v4 =	vperm.xlane v3, v0;
	_ =	sdelay $0x1  }
0xf0: {  	v3 =	vperm.xlane v3, v2;
	v4 =	vadd.s32 v1, v4;
	_ =	sdelay $0x1  }
0xf1: {  	v3 =	vadd.s32 v1, v3;
	_ =	sdelay $0x2  }
0xf2: {  	[tilespmem:s24], [sflag:$0x1] =	stream.indirect_vreg.gather [hbm4b:s3+s2], $0x80, v4, vm0, $0xb8;
	[tilespmem:$0x12000] =	vst v63  }
0xf3: {  	_ = 	snop  }
0xf4: {  	[tilespmem:s26], [sflag:$0x1] =	stream.indirect_vreg.gather [hbm4b:s3+s2], $0x80, v3, vm0, $0xb8;
	[tilespmem:$0x12000] =	vst v63  }
0xf5: {  	v3 =	vld [tilespmem:s18+$0xFFFFFF50];
	_ =	sdelay $0x4  }
0xf6: {  	v52 =	vshll.u32 v3, $0x1  }
0xf7: {  	v3 =	vand.u32 $0x7, v3;
	v4 =	vand.u32 $0xFFFFFFF0, v52  }
0xf8: {  	v3 =	vor.u32 v3, v4  }
0xf9: {  	v4 =	vperm.xlane v3, v0;
	_ =	sdelay $0x1  }
0xfa: {  	v3 =	vperm.xlane v3, v2;
	v4 =	vadd.s32 v1, v4;
	_ =	sdelay $0x1  }
0xfb: {  	v3 =	vadd.s32 v1, v3;
	_ =	sdelay $0x2  }
0xfc: {  	[tilespmem:s28], [sflag:$0x1] =	stream.indirect_vreg.gather [hbm4b:s3+s2], $0x80, v4, vm0, $0xb8;
	[tilespmem:$0x12000] =	vst v63  }
0xfd: {  	_ = 	snop  }
0xfe: {  	[tilespmem:s29], [sflag:$0x1] =	stream.indirect_vreg.gather [hbm4b:s3+s2], $0x80, v3, vm0, $0xb8;
	[tilespmem:$0x12000] =	vst v63  }
0xff: {  	v3 =	vld [tilespmem:s18+$0xFFFFFF60];
	_ =	sdelay $0x4  }
0x100: {  	v53 =	vshll.u32 v3, $0x1  }
0x101: {  	v3 =	vand.u32 $0x7, v3;
	v4 =	vand.u32 $0xFFFFFFF0, v53  }
0x102: {  	v3 =	vor.u32 v3, v4  }
0x103: {  	v4 =	vperm.xlane v3, v0;
	_ =	sdelay $0x1  }
0x104: {  	v3 =	vperm.xlane v3, v2;
	v4 =	vadd.s32 v1, v4;
	_ =	sdelay $0x1  }
0x105: {  	v3 =	vadd.s32 v1, v3;
	_ =	sdelay $0x2  }
0x106: {  	[tilespmem:s30], [sflag:$0x1] =	stream.indirect_vreg.gather [hbm4b:s3+s2], $0x80, v4, vm0, $0xb8;
	[tilespmem:$0x12000] =	vst v63  }
0x107: {  	_ = 	snop  }
0x108: {  	[tilespmem:s31], [sflag:$0x1] =	stream.indirect_vreg.gather [hbm4b:s3+s2], $0x80, v3, vm0, $0xb8;
	[tilespmem:$0x12000] =	vst v63  }
0x109: {  	v3 =	vld [tilespmem:s18+$0xFFFFFF70];
	_ =	sdelay $0x4  }
0x10a: {  	v54 =	vshll.u32 v3, $0x1  }
0x10b: {  	v3 =	vand.u32 $0x7, v3;
	v4 =	vand.u32 $0xFFFFFFF0, v54  }
0x10c: {  	v3 =	vor.u32 v3, v4  }
0x10d: {  	v4 =	vperm.xlane v3, v0;
	_ =	sdelay $0x1  }
0x10e: {  	v3 =	vperm.xlane v3, v2;
	v4 =	vadd.s32 v1, v4;
	_ =	sdelay $0x1  }
0x10f: {  	v3 =	vadd.s32 v1, v3;
	_ =	sdelay $0x1  }
0x110: {  	s20 =	simm.s32 $0x8000  }
0x111: {  	[tilespmem:s20], [sflag:$0x1] =	stream.indirect_vreg.gather [hbm4b:s3+s2], $0x80, v4, vm0, $0xb8;
	[tilespmem:$0x12000] =	vst v63  }
0x112: {  	_ = 	snop  }
0x113: {  	[tilespmem:s1], [sflag:$0x1] =	stream.indirect_vreg.gather [hbm4b:s3+s2], $0x80, v3, vm0, $0xb8;
	[tilespmem:$0x12000] =	vst v63  }
0x114: {  	v3 =	vld [tilespmem:s18+$0xFFFFFF80];
	_ =	sdelay $0x4  }
0x115: {  	v55 =	vshll.u32 v3, $0x1  }
0x116: {  	v3 =	vand.u32 $0x7, v3;
	v4 =	vand.u32 $0xFFFFFFF0, v55  }
0x117: {  	v3 =	vor.u32 v3, v4  }
0x118: {  	v4 =	vperm.xlane v3, v0;
	_ =	sdelay $0x1  }
0x119: {  	v3 =	vperm.xlane v3, v2;
	v4 =	vadd.s32 v1, v4;
	_ =	sdelay $0x1  }
0x11a: {  	v3 =	vadd.s32 v1, v3;
	_ =	sdelay $0x2  }
0x11b: {  	[tilespmem:s4], [sflag:$0x1] =	stream.indirect_vreg.gather [hbm4b:s3+s2], $0x80, v4, vm0, $0xb8;
	[tilespmem:$0x12000] =	vst v63  }
0x11c: {  	_ = 	snop  }
0x11d: {  	[tilespmem:s6], [sflag:$0x1] =	stream.indirect_vreg.gather [hbm4b:s3+s2], $0x80, v3, vm0, $0xb8;
	[tilespmem:$0x12000] =	vst v63  }
0x11e: {  	_ =	swait.ge [sflag:s16], $0x8000  }
0x11f: {  	[sflag:s16] =	ssyncset.done $0x0  }
0x120: {  	[sflag:s16] =	ssyncadd.s32 $0xFFFF8000  }
0x121: {  	v3 =	vld [tilespmem:s18+$0xFFFFFF90];
	_ =	sdelay $0x4  }
0x122: {  	v56 =	vshll.u32 v3, $0x1  }
0x123: {  	v3 =	vand.u32 $0x7, v3;
	v4 =	vand.u32 $0xFFFFFFF0, v56  }
0x124: {  	v3 =	vor.u32 v3, v4  }
0x125: {  	v4 =	vperm.xlane v3, v0;
	_ =	sdelay $0x1  }
0x126: {  	v3 =	vperm.xlane v3, v2;
	v4 =	vadd.s32 v1, v4;
	_ =	sdelay $0x1  }
0x127: {  	v3 =	vadd.s32 v1, v3;
	_ =	sdelay $0x2  }
0x128: {  	[tilespmem:s0], [sflag:$0x2] =	stream.indirect_vreg.gather [hbm4b:s3+s2], $0x80, v4, vm0, $0xb8;
	[tilespmem:$0x12000] =	vst v63  }
0x129: {  	_ = 	snop  }
0x12a: {  	[tilespmem:s7], [sflag:$0x2] =	stream.indirect_vreg.gather [hbm4b:s3+s2], $0x80, v3, vm0, $0xb8;
	[tilespmem:$0x12000] =	vst v63  }
0x12b: {  	v3 =	vld [tilespmem:s18+$0xFFFFFFA0];
	_ =	sdelay $0x4  }
0x12c: {  	v57 =	vshll.u32 v3, $0x1  }
0x12d: {  	v3 =	vand.u32 $0x7, v3;
	v4 =	vand.u32 $0xFFFFFFF0, v57  }
0x12e: {  	v3 =	vor.u32 v3, v4  }
0x12f: {  	v4 =	vperm.xlane v3, v0;
	_ =	sdelay $0x1  }
0x130: {  	v3 =	vperm.xlane v3, v2;
	v4 =	vadd.s32 v1, v4;
	_ =	sdelay $0x1  }
0x131: {  	v3 =	vadd.s32 v1, v3;
	_ =	sdelay $0x2  }
0x132: {  	[tilespmem:s5], [sflag:$0x2] =	stream.indirect_vreg.gather [hbm4b:s3+s2], $0x80, v4, vm0, $0xb8;
	[tilespmem:$0x12000] =	vst v63  }
0x133: {  	_ = 	snop  }
0x134: {  	[tilespmem:s8], [sflag:$0x2] =	stream.indirect_vreg.gather [hbm4b:s3+s2], $0x80, v3, vm0, $0xb8;
	[tilespmem:$0x12000] =	vst v63  }
0x135: {  	v3 =	vld [tilespmem:s18+$0xFFFFFFB0];
	_ =	sdelay $0x4  }
0x136: {  	v58 =	vshll.u32 v3, $0x1  }
0x137: {  	v3 =	vand.u32 $0x7, v3;
	v4 =	vand.u32 $0xFFFFFFF0, v58  }
0x138: {  	v3 =	vor.u32 v3, v4  }
0x139: {  	v4 =	vperm.xlane v3, v0;
	_ =	sdelay $0x1  }
0x13a: {  	v3 =	vperm.xlane v3, v2;
	v4 =	vadd.s32 v1, v4;
	_ =	sdelay $0x1  }
0x13b: {  	v3 =	vadd.s32 v1, v3;
	_ =	sdelay $0x2  }
0x13c: {  	[tilespmem:s10], [sflag:$0x2] =	stream.indirect_vreg.gather [hbm4b:s3+s2], $0x80, v4, vm0, $0xb8;
	[tilespmem:$0x12000] =	vst v63  }
0x13d: {  	_ = 	snop  }
0x13e: {  	[tilespmem:s11], [sflag:$0x2] =	stream.indirect_vreg.gather [hbm4b:s3+s2], $0x80, v3, vm0, $0xb8;
	[tilespmem:$0x12000] =	vst v63  }
0x13f: {  	v3 =	vld [tilespmem:s18+$0xFFFFFFC0];
	_ =	sdelay $0x4  }
0x140: {  	v59 =	vshll.u32 v3, $0x1  }
0x141: {  	v3 =	vand.u32 $0x7, v3;
	v4 =	vand.u32 $0xFFFFFFF0, v59  }
0x142: {  	v3 =	vor.u32 v3, v4  }
0x143: {  	v4 =	vperm.xlane v3, v0;
	_ =	sdelay $0x1  }
0x144: {  	v3 =	vperm.xlane v3, v2;
	v4 =	vadd.s32 v1, v4;
	_ =	sdelay $0x1  }
0x145: {  	v3 =	vadd.s32 v1, v3;
	_ =	sdelay $0x2  }
0x146: {  	[tilespmem:s12], [sflag:$0x2] =	stream.indirect_vreg.gather [hbm4b:s3+s2], $0x80, v4, vm0, $0xb8;
	[tilespmem:$0x12000] =	vst v63  }
0x147: {  	_ = 	snop  }
0x148: {  	[tilespmem:s9], [sflag:$0x2] =	stream.indirect_vreg.gather [hbm4b:s3+s2], $0x80, v3, vm0, $0xb8;
	[tilespmem:$0x12000] =	vst v63  }
0x149: {  	v3 =	vld [tilespmem:s18+$0xFFFFFFD0];
	_ =	sdelay $0x4  }
0x14a: {  	v60 =	vshll.u32 v3, $0x1  }
0x14b: {  	v3 =	vand.u32 $0x7, v3;
	v4 =	vand.u32 $0xFFFFFFF0, v60  }
0x14c: {  	v3 =	vor.u32 v3, v4  }
0x14d: {  	v4 =	vperm.xlane v3, v0;
	_ =	sdelay $0x1  }
0x14e: {  	v3 =	vperm.xlane v3, v2;
	v4 =	vadd.s32 v1, v4;
	_ =	sdelay $0x1  }
0x14f: {  	v3 =	vadd.s32 v1, v3;
	_ =	sdelay $0x1  }
0x150: {  	s20 =	simm.s32 $0xE000  }
0x151: {  	[tilespmem:s20], [sflag:$0x2] =	stream.indirect_vreg.gather [hbm4b:s3+s2], $0x80, v4, vm0, $0xb8;
	[tilespmem:$0x12000] =	vst v63  }
0x152: {  	s20 =	simm.s32 $0xE800  }
0x153: {  	[tilespmem:s20], [sflag:$0x2] =	stream.indirect_vreg.gather [hbm4b:s3+s2], $0x80, v3, vm0, $0xb8;
	[tilespmem:$0x12000] =	vst v63  }
0x154: {  	v3 =	vld [tilespmem:s18+$0xFFFFFFE0];
	_ =	sdelay $0x4  }
0x155: {  	v61 =	vshll.u32 v3, $0x1  }
0x156: {  	v3 =	vand.u32 $0x7, v3;
	v4 =	vand.u32 $0xFFFFFFF0, v61  }
0x157: {  	v3 =	vor.u32 v3, v4  }
0x158: {  	v4 =	vperm.xlane v3, v0;
	_ =	sdelay $0x1  }
0x159: {  	v3 =	vperm.xlane v3, v2;
	v4 =	vadd.s32 v1, v4;
	_ =	sdelay $0x1  }
0x15a: {  	v3 =	vadd.s32 v1, v3;
	_ =	sdelay $0x1  }
0x15b: {  	s20 =	simm.s32 $0xF000  }
0x15c: {  	[tilespmem:s20], [sflag:$0x2] =	stream.indirect_vreg.gather [hbm4b:s3+s2], $0x80, v4, vm0, $0xb8;
	[tilespmem:$0x12000] =	vst v63  }
0x15d: {  	s20 =	simm.s32 $0xF800  }
0x15e: {  	[tilespmem:s20], [sflag:$0x2] =	stream.indirect_vreg.gather [hbm4b:s3+s2], $0x80, v3, vm0, $0xb8;
	[tilespmem:$0x12000] =	vst v63  }
0x15f: {  	v3 =	vld [tilespmem:s18+$0xFFFFFFF0];
	_ =	sdelay $0x4  }
0x160: {  	v62 =	vshll.u32 v3, $0x1  }
0x161: {  	v3 =	vand.u32 $0x7, v3;
	v4 =	vand.u32 $0xFFFFFFF0, v62  }
0x162: {  	v3 =	vor.u32 v3, v4  }
0x163: {  	v4 =	vperm.xlane v3, v0;
	_ =	sdelay $0x1  }
0x164: {  	v3 =	vperm.xlane v3, v2;
	v4 =	vadd.s32 v1, v4;
	_ =	sdelay $0x1  }
0x165: {  	v3 =	vadd.s32 v1, v3;
	_ =	sdelay $0x1  }
0x166: {  	s20 =	simm.s32 $0x10000  }
0x167: {  	[tilespmem:s20], [sflag:$0x2] =	stream.indirect_vreg.gather [hbm4b:s3+s2], $0x80, v4, vm0, $0xb8;
	[tilespmem:$0x12000] =	vst v63  }
0x168: {  	s20 =	simm.s32 $0x10800  }
0x169: {  	[tilespmem:s20], [sflag:$0x2] =	stream.indirect_vreg.gather [hbm4b:s3+s2], $0x80, v3, vm0, $0xb8;
	[tilespmem:$0x12000] =	vst v63  }
0x16a: {  	v3 =	vld [tilespmem:s18+$0x0];
	_ =	sdelay $0x4  }
0x16b: {  	v63 =	vshll.u32 v3, $0x1  }
0x16c: {  	v3 =	vand.u32 $0x7, v3;
	v4 =	vand.u32 $0xFFFFFFF0, v63  }
0x16d: {  	v3 =	vor.u32 v3, v4  }
0x16e: {  	v4 =	vperm.xlane v3, v0;
	_ =	sdelay $0x1  }
0x16f: {  	v3 =	vperm.xlane v3, v2;
	v4 =	vadd.s32 v1, v4;
	_ =	sdelay $0x1  }
0x170: {  	v3 =	vadd.s32 v1, v3;
	_ =	sdelay $0x1  }
0x171: {  	s20 =	simm.s32 $0x11000  }
0x172: {  	[tilespmem:s20], [sflag:$0x2] =	stream.indirect_vreg.gather [hbm4b:s3+s2], $0x80, v4, vm0, $0xb8;
	[tilespmem:$0x12000] =	vst v63  }
0x173: {  	s20 =	simm.s32 $0x11800  }
0x174: {  	[tilespmem:s20], [sflag:$0x2] =	stream.indirect_vreg.gather [hbm4b:s3+s2], $0x80, v3, vm0, $0xb8;
	[tilespmem:$0x12000] =	vst v63  }
0x175: {  	_ =	swait.ge [sflag:s13], $0x8000  }
0x176: {  	s20 =	rddreg [dreg:$0x2]  }
0x177: {  	[sflag:s13] =	ssyncset.done $0x0;
	s19 =	sadd.s32 s17, s20  }
0x178: {  	p0 =	sne.s32 s17, $0xFFFFE000;
	[sflag:s13] =	ssyncadd.s32 $0xFFFF8000;
	s20 =	sadd.s32 $0x40000, s19  }
0x179: {  	[hbm4b:s20+s2] =	stream.linear.scatter [tilespmem:s25], [sflag:$0x3], $0x8000, $0x38;
	[tilespmem:$0x12000] =	vst v63  }
.Ltmp0:
0x17a: {  	_ =	swait.ge [sflag:s14], $0x8000;
	(pc) =	sbr.rel @p0 .LBB2_2-.Ltmp0, $4  }
0x17b: {  	[sflag:s14] =	ssyncset.done $0x0  }
0x17c: {  	s18 =	sadd.s32 $0x100, s18;
	s19 =	sadd.s32 $0x41000, s19;
	[sflag:s14] =	ssyncadd.s32 $0xFFFF8000  }
0x17d: {  	[hbm4b:s19+s2] =	stream.linear.scatter [tilespmem:s0], [sflag:$0x4], $0x8000, $0x38;
	[tilespmem:$0x12000] =	vst v63  }
0x17e: {  	s17 =	sadd.s32 $0x2000, s17;
	s20 =	simm.s32 $0x3000;
	s19 =	simm.s32 $0x2800  }
0x17f: {  	_ =	swait.ge [sflag:s15], $0x8000  }
0x180: {  	s18 =	simm.s32 $0x3800;
	s21 =	simm.s32 $0x4000;
	[sflag:s15] =	ssyncset.done $0x0  }
0x181: {  	s22 =	simm.s32 $0x4800;
	s23 =	simm.s32 $0x5000;
	[sflag:s15] =	ssyncadd.s32 $0xFFFF8000  }
0x182: {  	s24 =	simm.s32 $0x5800;
	s26 =	simm.s32 $0x6000;
	_ =	swait.ge [sflag:s16], $0x8000  }
0x183: {  	s28 =	simm.s32 $0x6800;
	s29 =	simm.s32 $0x7000;
	s0 =	rddreg [dreg:$0x7]  }
0x184: {  	s30 =	simm.s32 $0x7800;
	s17 =	rddreg [dreg:$0x6];
	s0 =	sadd.s32 $0x1, s0  }
0x185: {  	s1 =	simm.s32 $0x8800;
	s4 =	simm.s32 $0x9000;
	p0 =	sne.s32 s0, s17  }
.Ltmp1:
0x186: {  	s6 =	simm.s32 $0x9800;
	s7 =	simm.s32 $0xA800;
	(pc) =	sbr.rel @p0 .LBB2_1-.Ltmp1, $4  }
0x187: {  	s5 =	simm.s32 $0xB000;
	s8 =	simm.s32 $0xB800;
	s10 =	simm.s32 $0xC000  }
0x188: {  	s11 =	simm.s32 $0xC800;
	s12 =	simm.s32 $0xD000;
	s9 =	simm.s32 $0xD800  }
0x189: {  	s31 =	simm.s32 $0x2000;
	s25 =	simm.s32 $0xA000;
	[sflag:s16] =	ssyncset.done $0x0  }
0x18a: {  	[sflag:s16] =	ssyncadd.s32 $0xFFFF8000;
	[dreg:$0x7] =	wrdreg s0;
	s0 =	simm.s32 $0x8000  }
0x18b: {  	_ =	sfence.sel $0x180000  }
0x18c: {  	[bflag:$0x0] =	sbarrier.arrive $0xFFFF  }
0x18d: {  	_ =	strace $0x90000047  }
0x18e: {  	s0 =	stileid.u32;
	[bflag:$0x2] =	sbarrier.arrive $0xFFFF  }
0x18f: {  	p0 =	sne.s32 s0, $0x0;
	s0 =	rddreg [dreg:$0x1]  }
0x190: {  	s0 =	sadd.s32 @!p0 $0x100000, s0  }
0x191: {  	[sflag:s0] =	ssyncadd.tile.s32 @!p0 $0x1;
	_ =	shalt  }
.Lfunc_end2:
_tile_overlayer_lowered:
.L_overlay_start_2:
0x192: {  	(tag) =	ssettag $0x2  }
0x193: {  	s0 =	rddreg [dreg:$0x0];
	s2 =	stileid.u32  }
0x194: {  	s1 =	rddreg [dreg:$0x1];
	p0 =	sne.s32 s2, $0x0  }
0x195: {  	s3 =	rddreg [dreg:$0x2];
	[bflag:$0x3] =	sbarrier.arrive $0xFFFF;
	s2 =	simm.s32 @!p0 $0x1C05  }
0x196: {  	[timem:s3], [sflag:s2] =	dma.local @!p0 [hbm:s0], s1  }
0x197: {  	s0 =	simm.s32 @!p0 $0x5  }
0x198: {  	_ =	swait.ge @!p0 [sflag:s0], s1  }
0x199: {  	s1 =	ssub.s32 @!p0 $0x0, s1;
	[sflag:s0] =	ssyncset.done @!p0 $0x0  }
0x19a: {  	[sflag:s0] =	ssyncadd.s32 @!p0 s1  }
0x19b: {  	[bflag:$0x3] =	sbarrier.arrive $0xFFFF  }
0x19c: {  	_ =	shalt  }

// kernel: sparse-core-data-format-call.cloned.1.call-start
scs
called_computation_lowered:
.L_overlay_start_0:
0x0: {  	s2 =	sld [smem:$0x3FD9]  }
0x1: {  	s3 =	sld [smem:$0x3FFE];
	_ =	sdelay $0x1  }
0x2: {  	s1 =	srdreg.scid  }
0x3: {  	s0 =	sand.u32 $0x1, s1  }
0x4: {  	s18 =	sshll.u32 s0, $0xA;
	s2 =	sadd.s32 s3, s2  }
0x5: {  	s2 =	sadd.s32 s2, s18  }
0x6: {  	[smem:$0x3FC6] =	sst s2  }
0x7: {  	_ = 	snop  }
0x8: {  	s2 =	sld [smem:$0x3FD0];
	(tm) =	ssettm $0x1  }
0x9: {  	s19 =	sld [smem:$0x3FFB];
	_ =	sdelay $0x3  }
0xa: {  	_ =	strace s19  }
0xb: {  	s3 =	sld [smem:$0x3FFC];
	_ =	sdelay $0x3  }
0xc: {  	_ =	strace s3  }
0xd: {  	s3 =	sld [smem:$0x3FFD];
	_ =	sdelay $0x3  }
0xe: {  	_ =	strace s3  }
0xf: {  	_ =	strace $0x8FFFFFFF  }
0x10: {  	s20 =	sld [smem:$0x3FDB];
	_ =	sdelay $0x1  }
0x11: {  	s4 =	simm.s32 $_scs_section_size  }
0x12: {  	s5 =	simm.s32 $_size__tile_overlayer_lowered;
	s6 =	simm.s32 $_tile_overlayer_lowered  }
0x13: {  	s23 =	simm.s32 $0x1BFF;
	s22 =	sshll.u32 s6, $0x1;
	s3 =	sadd.s32 s4, s20  }
0x14: {  	s7 =	simm.s32 $0x0;
	s21 =	sshll.u32 s5, $0x1;
	s5 =	sadd.s32 s22, s3  }
0x15: {  	[timem:s7], [sflag:s23] =	dma.local [hbm:s5], s21  }
0x16: {  	_ =	swait.ge [sflag:s23], s21  }
0x17: {  	s4 =	ssub.s32 $0x0, s21;
	[sflag:s23] =	ssyncset.done $0x0  }
0x18: {  	[sflag:s23] =	ssyncadd.s32 s4;
	_ =	sdelay $0x1  }
0x19: {  	s24 =	simm.s32 $0x1B8B  }
0x1a: {  	_ =	swait.ge [sflag:s24], $0x1  }
0x1b: {  	[sflag:s24] =	ssyncset.done $0x0  }
0x1c: {  	s26 =	simm.s32 $0x1B8E;
	s25 =	sld [smem:$0x3FFE];
	[sflag:s24] =	ssyncadd.s32 $0xFFFFFFFF  }
0x1d: {  	s27 =	simm.s32 $execute0_lowered;
	[smem:$0x3FD2] =	sst s26  }
0x1e: {  	s5 =	sshll.u32 s27, $0x1;
	_ =	strace $0x80000049;
	[dreg:$0x1] =	wrdreg $0xFFFFFFFF  }
0x1f: {  	s28 =	simm.s32 $_size_execute0_lowered;
	s3 =	sadd.s32 s3, s5;
	[dreg:$0x0] =	wrdreg $0x0  }
0x20: {  	s5 =	sshll.u32 s28, $0x1;
	[dreg:$0x2] =	wrdreg s3  }
0x21: {  	[dreg:$0x3] =	wrdreg s5  }
0x22: {  	[dreg:$0x4] =	wrdreg $0xC0  }
0x23: {  	_ =	task [dreg:s7], $0x5FFFF  }
0x24: {  	[dreg:$0x1] =	wrdreg $0xFFFFFFFF  }
0x25: {  	[dreg:$0x0] =	wrdreg $0x60  }
0x26: {  	[dreg:$0x2] =	wrdreg s25  }
0x27: {  	[dreg:$0x3] =	wrdreg s2  }
0x28: {  	[dreg:$0x4] =	wrdreg $0x9  }
0x29: {  	_ =	task.clear_ibuf [dreg:s7], $0x5FFFF;
	_ =	strace $0x90000049  }
0x2a: {  	s29 =	simm.s32 $0x9;
	_ =	strace $0x8000004B  }
0x2b: {  	_ =	swait.ge [sflag:s29], $0x1  }
0x2c: {  	[sflag:s29] =	ssyncadd.s32 $0xFFFFFFFF  }
0x2d: {  	_ =	strace $0x9000004B  }
0x2e: {  	_ =	sfence  }
0x2f: {  	s30 =	sld [smem:$0x0];
	_ =	sdelay $0x2  }
0x30: {  	s31 =	sshll.u32 s1, $0xD;
	s1 =	sshrl.u32 s1, $0x2  }
0x31: {  	s3 =	sand.u32 $0x4000, s31;
	s1 =	sadd.s32 s1, s30  }
0x32: {  	s0 =	sor.u32 s3, s0;
	s1 =	sshll.u32 s1, $0x11  }
0x33: {  	s0 =	sor.u32 s1, s0  }
0x34: {  	s0 =	sadd.s32 $0x8F2B, s0  }
0x35: {  	[sflag:s0] =	ssyncadd.remote.s32 $0x1  }
0x36: {  	_ =	sfence.sel $0xFFFF  }
0x37: {  	[dreg:$0x0] =	wrdreg $0xFFFFFFFF;
	(pc) =	sbr.abs _section_cstart, $3  }
0x38: {  	[dreg:$0x1] =	wrdreg $0xFFFFFFFF  }
0x39: {  	_ =	task.clear_ibuf [dreg:s7], $0x2FFFF;
	_ =	strace $0x9FFFFFFF  }
0x3a: {  	(tm) =	ssettm $0x7FFFFFFF  }
0x3b: {  	_ =	shalt  }
tec
execute0_lowered:
.L_overlay_start_1:
0x0: {  	(tag) =	ssettag $0x1  }
0x1: {  	s1 =	rddreg [dreg:$0x0]  }
0x2: {  	s2 =	rddreg [dreg:$0x1]  }
0x3: {  	s0 =	rddreg [dreg:$0x2]  }
0x4: {  	s4 =	srdreg.scid;
	_ =	strace $0x8000004A;
	s6 =	simm.s32 $0x2  }
0x5: {  	s13 =	simm.s32 $0x0;
	s14 =	simm.s32 $0x0;
	s17 =	simm.s32 $0x0  }
0x6: {  	s15 =	simm.s32 $0x0;
	s16 =	simm.s32 $0x0;
	s8 =	simm.s32 $0x0  }
.Ltmp0:
0x7: {  	s9 =	simm.s32 $0x0;
	s10 =	simm.s32 $0x0;
	(pc) =	sbr.rel .LBB1_1-.Ltmp0, $4  }
0x8: {  	s11 =	simm.s32 $0x0;
	s3 =	sadd.s32 $0x800, s1;
	s4 =	sshll.u32 s4, $0x4  }
0x9: {  	s1 =	stileid.u32;
	s5 =	sand.u32 $0x10, s4;
	s4 =	simm.s32 $0x1  }
0xa: {  	s7 =	simm.s32 $0x0;
	s5 =	sor.u32 s1, s5;
	[sflag:s4] =	ssyncpa.u1 $0x0  }
0xb: {  	[sflag:s6] =	ssyncpa.u1 $0x0;
	s6 =	simm.s32 $0x200000;
	s12 =	smov.u32 s5  }
.LBB1_9:
0xc: {  	s18 =	sadd.s32 $0x400, s8  }
0xd: {  	s13 =	sadd.s32 $0x8, s9;
	s19 =	smov.u32 s9;
	p1 =	sgt.s32 s18, $0x1FFF  }
0xe: {  	s19 =	smov.u32 @p1 s13  }
0xf: {  	s20 =	smov.u32 s10;
	s13 =	sadd.s32 $0x2, s10;
	p2 =	sgt.s32 s19, $0x1F  }
0x10: {  	s20 =	smov.u32 @p2 s13  }
0x11: {  	s13 =	simm.s32 $0x1;
	p3 =	sgt.s32 s20, $0x1  }
0x12: {  	s13 =	simm.s32 @!p3 $0x0  }
0x13: {  	p0 =	slt.u32 s7, $0x2;
	s21 =	sadd.s32 s13, s11  }
0x14: {  	s22 =	smov.u32 s12;
	s13 =	sadd.s32 $0x20, s12;
	p4 =	sgt.s32 s21, $0x1  }
0x15: {  	s7 =	sadd.s32 $0x1, s7;
	s14 =	smov.u32 s9;
	s22 =	smov.u32 @p4 s13  }
0x16: {  	s17 =	smov.u32 s10;
	s18 =	simm.s32 @p1 $0x0;
	p1 =	sgt.s32 s22, $0x3F  }
0x17: {  	s23 =	simm.s32 @!p0 $0x2;
	s22 =	smov.u32 @p1 s5;
	p1 =	sne.s32 s7, $0x82  }
.Ltmp1:
0x18: {  	s15 =	smov.u32 s11;
	_ =	swait.ge @!p0 [sflag:s23], $0x4000;
	(pc) =	sbr.rel @!p1 .LBB1_10-.Ltmp1, $4  }
0x19: {  	s16 =	smov.u32 s12;
	[sflag:s23] =	ssyncset.done @!p0 $0x0;
	s19 =	simm.s32 @p2 $0x0  }
0x1a: {  	[sflag:s23] =	ssyncadd.s32 @!p0 $0xFFFFC000;
	s9 =	smov.u32 s19;
	s20 =	simm.s32 @p3 $0x0  }
0x1b: {  	s10 =	smov.u32 s20;
	s21 =	simm.s32 @p4 $0x0;
	s13 =	smov.u32 s8  }
0x1c: {  	s8 =	smov.u32 s18;
	s11 =	smov.u32 s21;
	s12 =	smov.u32 s22  }
.LBB1_1:
0x1d: {  	p0 =	sgt.u32 s7, $0x7F  }
0x1e: {  	s18 =	sxor.u32 @!p0 $0xFFFFFFFF, s7  }
0x1f: {  	s19 =	sshll.u32 @!p0 s9, $0xD;
	s20 =	sshll.u32 @!p0 s8, $0x3;
	s21 =	sshll.u32 @!p0 s9, $0x7  }
0x20: {  	s22 =	sand.u32 @!p0 $0x78, s8;
	s23 =	sshll.u32 @!p0 s10, $0xF;
	s19 =	sand.u32 @!p0 $0x30000, s19  }
0x21: {  	s18 =	sshll.u32 @!p0 s18, $0xE;
	s21 =	sand.u32 @!p0 $0x380, s21;
	s19 =	sadd.s32 @!p0 s19, s20  }
0x22: {  	s20 =	sand.u32 @!p0 $0x1C00, s20;
	s21 =	sor.u32 @!p0 s21, s22;
	s22 =	sshll.u32 @!p0 s12, $0x11  }
0x23: {  	s20 =	sor.u32 @!p0 s20, s21;
	s21 =	sshll.u32 @!p0 s11, $0x10;
	s22 =	sadd.s32 @!p0 s3, s22  }
0x24: {  	s18 =	sand.u32 @!p0 $0x4000, s18;
	s19 =	sshrl.u32 @!p0 s19, $0x3;
	s21 =	sadd.s32 @!p0 s21, s22  }
0x25: {  	s19 =	sand.u32 @!p0 $0x7C00, s19;
	s22 =	sand.u32 @!p0 $0x7, s8;
	s21 =	sadd.s32 @!p0 s23, s21  }
0x26: {  	s20 =	sshrl.u32 @!p0 s20, $0x3;
	s19 =	sadd.s32 @!p0 s19, s21;
	s21 =	sshll.u32 @!p0 s22, $0x12  }
0x27: {  	s19 =	sadd.s32 @!p0 s20, s19;
	s20 =	sor.u32 @!p0 $0x2000, s21;
	s21 =	simm.s32 @!p0 $0x40000  }
0x28: {  	[tilespmem:s18], [sflag:$0x1] =	stream.strided.gather @!p0 [hbm4b:s19+s20], $0x4000, s21, s20, $0x38;
	[tilespmem:$0x10000] =	vst v63  }
0x29: {  	p0 =	seq.s32 s7, $0x0  }
0x2a: {  	p1 =	seq.s32 @!p0 s7, $0x81  }
0x2b: {  	p0 =	por p0, p1  }
.Ltmp2:
0x2c: {  	_ = 	snop;
	(pc) =	sbr.rel @p0 .LBB1_9-.Ltmp2, $1  }
0x2d: {  	_ =	sdelay $0x3  }
0x2e: {  	_ =	swait.ge [sflag:s4], $0x4000;
	s18 =	sshll.u32 s7, $0xE  }
0x2f: {  	s20 =	simm.s32 $0x0;
	[sflag:s4] =	ssyncset.done $0x0;
	s19 =	sand.u32 $0x4000, s18  }
0x30: {  	p1 =	por $0x1, $0x1;
	[sflag:s4] =	ssyncadd.s32 $0xFFFFC000;
	s18 =	sor.u32 $0x8000, s19  }
.LBB1_3:
0x31: {  	s21 =	sshll.u32 s20, $0x7  }
0x32: {  	s22 =	sshll.u32 s20, $0xD;
	p0 =	por p1, p1;
	s21 =	sand.u32 $0x3FFFFF80, s21  }
0x33: {  	s20 =	sadd.s32 s22, s19;
	v0 =	vmov s22;
	s22 =	simm.s32 $0x0;
	s21 =	sadd.s32 s21, s18  }
.LBB1_4:
0x34: {  	s25 =	sshll.u32 s22, $0xB;
	s26 =	sshll.u32 s22, $0x7  }
0x35: {  	s27 =	sadd.s32 s25, s21;
	v1 =	vmov s26  }
0x36: {  	s24 =	simm.s32 $0x0;
	p1 =	por $0x1, $0x1;
	s23 =	sadd.s32 s26, s19;
	v3 =	vmov s25;
	v2 =	vmov s27  }
.LBB1_5:
0x37: {  	s25 =	sshll.u32 s24, $0x3  }
0x38: {  	s25 =	sand.u32 $0x3FFFFFF8, s25  }
0x39: {  	s26 =	sadd.s32 s25, s20  }
0x3a: {  	s25 =	sadd.s32 s25, s23;
	v4 =	vld.idx.msk [tilespmem:v1+s26+$0x0 ss:$0x1], $0xffff  }
0x3b: {  	v5 =	vld.idx.msk [tilespmem:v0+s25+$0x10 ss:$0x1], $0xffff  }
0x3c: {  	v6 =	vld.idx.msk [tilespmem:v0+s25+$0x20 ss:$0x1], $0xffff  }
0x3d: {  	s31 =	sshll.u32 s24, $0x1;
	v7 =	vld.idx.msk [tilespmem:v0+s25+$0x30 ss:$0x1], $0xffff  }
0x3e: {  	s24 =	sand.u32 $0x3FFFFFFE, s31;
	v8 =	vld.idx.msk [tilespmem:v0+s25+$0x40 ss:$0x1], $0xffff  }
0x3f: {  	[tilespmem:v2+s24+$0x0 ss:$0x1] =	vst.idx.msk $0xffff, v4;
	s24 =	sadd.s32 s24, s21;
	v4 =	vld.idx.msk [tilespmem:v0+s25+$0x50 ss:$0x1], $0xffff  }
0x40: {  	[tilespmem:v3+s24+$0x10 ss:$0x1] =	vst.idx.msk $0xffff, v5;
	v5 =	vld.idx.msk [tilespmem:v0+s25+$0x60 ss:$0x1], $0xffff  }
0x41: {  	v49 =	vld.idx.msk [tilespmem:v0+s25+$0x70 ss:$0x1], $0xffff;
	[tilespmem:v3+s24+$0x20 ss:$0x1] =	vst.idx.msk $0xffff, v6  }
0x42: {  	v50 =	vld.idx.msk [tilespmem:v1+s26+$0x400 ss:$0x1], $0xffff;
	[tilespmem:v3+s24+$0x30 ss:$0x1] =	vst.idx.msk $0xffff, v7  }
0x43: {  	v51 =	vld.idx.msk [tilespmem:v0+s25+$0x410 ss:$0x1], $0xffff;
	[tilespmem:v3+s24+$0x40 ss:$0x1] =	vst.idx.msk $0xffff, v8  }
0x44: {  	[tilespmem:v3+s24+$0x50 ss:$0x1] =	vst.idx.msk $0xffff, v4;
	v4 =	vld.idx.msk [tilespmem:v0+s25+$0x420 ss:$0x1], $0xffff  }
0x45: {  	[tilespmem:v3+s24+$0x60 ss:$0x1] =	vst.idx.msk $0xffff, v5;
	v5 =	vld.idx.msk [tilespmem:v0+s25+$0x430 ss:$0x1], $0xffff  }
0x46: {  	v52 =	vld.idx.msk [tilespmem:v0+s25+$0x440 ss:$0x1], $0xffff;
	[tilespmem:v3+s24+$0x70 ss:$0x1] =	vst.idx.msk $0xffff, v49  }
0x47: {  	v53 =	vld.idx.msk [tilespmem:v0+s25+$0x450 ss:$0x1], $0xffff;
	[tilespmem:v3+s24+$0x100 ss:$0x1] =	vst.idx.msk $0xffff, v50  }
0x48: {  	v54 =	vld.idx.msk [tilespmem:v0+s25+$0x460 ss:$0x1], $0xffff;
	[tilespmem:v3+s24+$0x110 ss:$0x1] =	vst.idx.msk $0xffff, v51  }
0x49: {  	[tilespmem:v3+s24+$0x120 ss:$0x1] =	vst.idx.msk $0xffff, v4;
	v4 =	vld.idx.msk [tilespmem:v0+s25+$0x470 ss:$0x1], $0xffff  }
0x4a: {  	[tilespmem:v3+s24+$0x130 ss:$0x1] =	vst.idx.msk $0xffff, v5;
	v5 =	vld.idx.msk [tilespmem:v1+s26+$0x800 ss:$0x1], $0xffff  }
0x4b: {  	v55 =	vld.idx.msk [tilespmem:v0+s25+$0x810 ss:$0x1], $0xffff;
	[tilespmem:v3+s24+$0x140 ss:$0x1] =	vst.idx.msk $0xffff, v52  }
0x4c: {  	v56 =	vld.idx.msk [tilespmem:v0+s25+$0x820 ss:$0x1], $0xffff;
	[tilespmem:v3+s24+$0x150 ss:$0x1] =	vst.idx.msk $0xffff, v53  }
0x4d: {  	v57 =	vld.idx.msk [tilespmem:v0+s25+$0x830 ss:$0x1], $0xffff;
	[tilespmem:v3+s24+$0x160 ss:$0x1] =	vst.idx.msk $0xffff, v54  }
0x4e: {  	[tilespmem:v3+s24+$0x170 ss:$0x1] =	vst.idx.msk $0xffff, v4;
	v4 =	vld.idx.msk [tilespmem:v0+s25+$0x840 ss:$0x1], $0xffff  }
0x4f: {  	[tilespmem:v3+s24+$0x200 ss:$0x1] =	vst.idx.msk $0xffff, v5;
	v5 =	vld.idx.msk [tilespmem:v0+s25+$0x850 ss:$0x1], $0xffff  }
0x50: {  	v58 =	vld.idx.msk [tilespmem:v0+s25+$0x860 ss:$0x1], $0xffff;
	[tilespmem:v3+s24+$0x210 ss:$0x1] =	vst.idx.msk $0xffff, v55  }
0x51: {  	v59 =	vld.idx.msk [tilespmem:v0+s25+$0x870 ss:$0x1], $0xffff;
	[tilespmem:v3+s24+$0x220 ss:$0x1] =	vst.idx.msk $0xffff, v56  }
0x52: {  	v60 =	vld.idx.msk [tilespmem:v1+s26+$0xC00 ss:$0x1], $0xffff;
	[tilespmem:v3+s24+$0x230 ss:$0x1] =	vst.idx.msk $0xffff, v57  }
0x53: {  	[tilespmem:v3+s24+$0x240 ss:$0x1] =	vst.idx.msk $0xffff, v4;
	v4 =	vld.idx.msk [tilespmem:v0+s25+$0xC10 ss:$0x1], $0xffff  }
0x54: {  	[tilespmem:v3+s24+$0x250 ss:$0x1] =	vst.idx.msk $0xffff, v5;
	v5 =	vld.idx.msk [tilespmem:v0+s25+$0xC20 ss:$0x1], $0xffff  }
0x55: {  	v61 =	vld.idx.msk [tilespmem:v0+s25+$0xC30 ss:$0x1], $0xffff;
	[tilespmem:v3+s24+$0x260 ss:$0x1] =	vst.idx.msk $0xffff, v58  }
0x56: {  	v62 =	vld.idx.msk [tilespmem:v0+s25+$0xC40 ss:$0x1], $0xffff;
	[tilespmem:v3+s24+$0x270 ss:$0x1] =	vst.idx.msk $0xffff, v59  }
0x57: {  	v63 =	vld.idx.msk [tilespmem:v0+s25+$0xC50 ss:$0x1], $0xffff;
	[tilespmem:v3+s24+$0x300 ss:$0x1] =	vst.idx.msk $0xffff, v60  }
0x58: {  	[tilespmem:v3+s24+$0x310 ss:$0x1] =	vst.idx.msk $0xffff, v4;
	v4 =	vld.idx.msk [tilespmem:v0+s25+$0xC60 ss:$0x1], $0xffff  }
0x59: {  	p2 =	por p1, p1;
	[tilespmem:v3+s24+$0x320 ss:$0x1] =	vst.idx.msk $0xffff, v5;
	v5 =	vld.idx.msk [tilespmem:v0+s25+$0xC70 ss:$0x1], $0xffff  }
.Ltmp3:
0x5a: {  	[tilespmem:v3+s24+$0x330 ss:$0x1] =	vst.idx.msk $0xffff, v61;
	(pc) =	sbr.rel @p2 .LBB1_5-.Ltmp3, $4  }
0x5b: {  	[tilespmem:v3+s24+$0x340 ss:$0x1] =	vst.idx.msk $0xffff, v62  }
0x5c: {  	[tilespmem:v3+s24+$0x350 ss:$0x1] =	vst.idx.msk $0xffff, v63  }
0x5d: {  	[tilespmem:v3+s24+$0x360 ss:$0x1] =	vst.idx.msk $0xffff, v4  }
0x5e: {  	p1 =	por $0x0, $0x0;
	[tilespmem:v3+s24+$0x370 ss:$0x1] =	vst.idx.msk $0xffff, v5;
	s24 =	simm.s32 $0x200  }
0x5f: {  	s22 =	sadd.s32 $0x1, s22  }
0x60: {  	p1 =	sne.s32 s22, $0x8  }
.Ltmp4:
0x61: {  	_ = 	snop;
	(pc) =	sbr.rel @p1 .LBB1_4-.Ltmp4, $1  }
0x62: {  	_ =	sdelay $0x3  }
.Ltmp5:
0x63: {  	(pc) =	sbr.rel @p0 .LBB1_3-.Ltmp5, $2  }
0x64: {  	_ =	sdelay $0x2  }
0x65: {  	s20 =	simm.s32 $0x1;
	p1 =	por $0x0, $0x0  }
0x66: {  	s17 =	sshll.u32 s17, $0x7;
	s19 =	sand.u32 $0x78, s13  }
0x67: {  	s20 =	sshll.u32 s13, $0x1;
	s16 =	sshll.u32 s16, $0xC;
	s15 =	sshll.u32 s15, $0xB  }
0x68: {  	s14 =	sshll.u32 s14, $0x12;
	s28 =	sshrl.u32 s13, $0x2;
	s30 =	sand.u32 $0x7, s13  }
0x69: {  	s17 =	sand.u32 $0x80, s17;
	s20 =	sand.u32 $0x1F00, s20;
	s16 =	sadd.s32 s2, s16  }
.Ltmp6:
0x6a: {  	s17 =	sor.u32 s17, s19;
	s15 =	sadd.s32 s15, s16;
	(pc) =	sbr.rel .LBB1_9-.Ltmp6, $4  }
0x6b: {  	s29 =	sand.u32 $0x400, s28;
	s17 =	sor.u32 s20, s17;
	s14 =	sadd.s32 s14, s15  }
0x6c: {  	s13 =	sshll.u32 s30, $0x12;
	s31 =	sshrl.u32 s17, $0x3;
	s14 =	sadd.s32 s29, s14  }
0x6d: {  	s13 =	sor.u32 $0x800, s13;
	s14 =	sadd.s32 s31, s14  }
0x6e: {  	[hbm4b:s14+s13] =	stream.strided.scatter [tilespmem:s18], [sflag:$0x2], $0x4000, s6, s13, $0x38;
	[tilespmem:$0x10000] =	vst v63  }
.LBB1_10:
0x6f: {  	_ =	sfence.sel $0x180000  }
0x70: {  	s2 =	simm.s32 $0x1;
	[bflag:$0x0] =	sbarrier.arrive $0xFFFF  }
0x71: {  	s31 =	simm.s32 $0x2;
	[sflag:s2] =	ssyncpa.u1 $0x1  }
0x72: {  	[sflag:s31] =	ssyncpa.u1 $0x1  }
0x73: {  	p0 =	sne.s32 s1, $0x0;
	_ =	strace $0x9000004A  }
0x74: {  	s0 =	sadd.s32 @!p0 $0x100000, s0;
	[bflag:$0x2] =	sbarrier.arrive $0xFFFF  }
0x75: {  	[sflag:s0] =	ssyncadd.tile.s32 @!p0 $0x1;
	_ =	shalt  }
.Lfunc_end1:
_tile_overlayer_lowered:
.L_overlay_start_2:
0x76: {  	(tag) =	ssettag $0x2  }
0x77: {  	s0 =	rddreg [dreg:$0x0];
	s2 =	stileid.u32  }
0x78: {  	s1 =	rddreg [dreg:$0x1];
	p0 =	sne.s32 s2, $0x0  }
0x79: {  	s3 =	rddreg [dreg:$0x2];
	[bflag:$0x3] =	sbarrier.arrive $0xFFFF;
	s2 =	simm.s32 @!p0 $0x1C01  }
0x7a: {  	[timem:s3], [sflag:s2] =	dma.local @!p0 [hbm:s0], s1  }
0x7b: {  	s0 =	simm.s32 @!p0 $0x1  }
0x7c: {  	_ =	swait.ge @!p0 [sflag:s0], s1  }
0x7d: {  	s1 =	ssub.s32 @!p0 $0x0, s1;
	[sflag:s0] =	ssyncset.done @!p0 $0x0  }
0x7e: {  	[sflag:s0] =	ssyncadd.s32 @!p0 s1  }
0x7f: {  	[bflag:$0x3] =	sbarrier.arrive $0xFFFF  }
0x80: {  	_ =	shalt  }

</sc_bundles>
